<compile_context>
chip_gen: v7x
topology: tpu7x:2x2x1
jax: 0.10.2.dev20260603
libtpu: 0.0.44.dev20260713+nightly
codegen_flags: <defaults>
</compile_context>

<pallas_src>
import functools

import jax
import jax.numpy as jnp
from jax import lax
from jax.experimental import pallas as pl
from jax.experimental.pallas import tpu as pltpu
from jax.experimental.pallas import tpu_sc as plsc

N = 10000
E = 320000
IN_DIM = 128
H = 16
D = 16
HD = H * D


def _matmul2_tc(a, b1, b2, bm):
    M, K = a.shape
    _, K1 = b1.shape
    _, Nc = b2.shape

    def body(a_ref, b1_ref, b2_ref, o_ref):
        t = jnp.dot(a_ref[...].astype(jnp.bfloat16),
                    b1_ref[...].astype(jnp.bfloat16),
                    preferred_element_type=jnp.float32)
        o_ref[...] = jnp.dot(t.astype(jnp.bfloat16),
                             b2_ref[...].astype(jnp.bfloat16),
                             preferred_element_type=jnp.float32)

    return pl.pallas_call(
        body,
        grid=(M // bm,),
        in_specs=[pl.BlockSpec((bm, K), lambda i: (i, 0)),
                  pl.BlockSpec((K, K1), lambda i: (0, 0)),
                  pl.BlockSpec((K1, Nc), lambda i: (0, 0))],
        out_specs=pl.BlockSpec((bm, Nc), lambda i: (i, 0)),
        out_shape=jax.ShapeDtypeStruct((M, Nc), jnp.float32),
    )(a, b1, b2)


def _sc_edge_pass(h2t, evs, src3, dst3):
    info = plsc.get_sparse_core_info()
    NC, NS = info.num_cores, info.num_subcores
    NW = NC * NS
    EPW = E // NW
    CH = 80
    NCH = EPW // CH
    ZROWS = 250

    mesh = plsc.VectorSubcoreMesh(core_axis_name="c", subcore_axis_name="s")

    @functools.partial(
        pl.kernel, mesh=mesh,
        out_type=jax.ShapeDtypeStruct((NC, N, H), jnp.float32),
        compiler_params=pltpu.CompilerParams(use_tc_tiling_on_sc=False),
        scratch_types=[
            pltpu.VMEM((NCH, CH), jnp.int32),
            pltpu.VMEM((NCH, CH), jnp.int32),
            pltpu.VMEM((2, CH, HD), jnp.float32),
            pltpu.VMEM((2, CH, HD), jnp.float32),
            pltpu.VMEM((2, CH, H), jnp.float32),
            pltpu.VMEM((2, CH, H), jnp.float32),
            pltpu.VMEM((ZROWS, H), jnp.float32),
            pltpu.VMEM_SHARED((N, H), jnp.float32),
            pltpu.SemaphoreType.DMA,
            pltpu.SemaphoreType.DMA,
            pltpu.SemaphoreType.DMA,
            pltpu.SemaphoreType.DMA,
        ],
    )
    def k(h2t_hbm, evs_hbm, src_hbm, dst_hbm, out_hbm,
          sidx, didx, srows, drows, evc, vals, zbuf, acc,
          sem0, sem1, sem2, sem3):
        cid = lax.axis_index("c")
        sid = lax.axis_index("s")
        wid = sid * NC + cid

        def zrow(i, carry):
            zbuf[i, :] = jnp.zeros((H,), jnp.float32)
            return carry
        lax.fori_loop(0, ZROWS, zrow, 0)

        def zslice(sl, carry):
            @pl.when(lax.rem(sl, NS) == sid)
            def _():
                pltpu.sync_copy(zbuf, acc.at[pl.ds(sl * ZROWS, ZROWS)])
            return carry
        lax.fori_loop(0, N // ZROWS, zslice, 0)
        plsc.subcore_barrier()

        pltpu.sync_copy(src_hbm.at[wid], sidx)
        pltpu.sync_copy(dst_hbm.at[wid], didx)

        base_w = wid * EPW

        def issue(c, p, sem):
            cps = (
                pltpu.async_copy(h2t_hbm.at[sidx.at[c]], srows.at[p], sem),
                pltpu.async_copy(h2t_hbm.at[didx.at[c]], drows.at[p], sem),
                pltpu.async_copy(
                    evs_hbm.at[pl.ds(base_w + c * CH, CH)], evc.at[p], sem),
            )
            return cps

        def drain(cps):
            for cp in cps:
                cp.wait()

        def compute(p_static, c, ssem):
            @pl.when(c >= 2)
            def _():
                pltpu.make_async_copy(vals.at[p_static],
                                      acc.at[didx.at[0]], ssem).wait()

            def edge_body(j, ecarry):
                a = (srows[p_static, j, pl.ds(0, H)] *
                     drows[p_static, j, pl.ds(0, H)])
                for dd in range(1, D):
                    a = a + (srows[p_static, j, pl.ds(dd * H, H)] *
                             drows[p_static, j, pl.ds(dd * H, H)])
                a = a + evc[p_static, j, :]
                a = jnp.maximum(a, a * 0.2)
                vals[p_static, j, :] = jnp.exp(a)
                return ecarry
            lax.fori_loop(0, CH, edge_body, 0)
            pltpu.async_copy(vals.at[p_static], acc.at[didx.at[c]], ssem,
                             add=True)

        drain(issue(0, 0, sem0))

        def pair_body(i, carry):
            c0 = i * 2

            @pl.when(c0 + 1 < NCH)
            def _():
                drain_next = issue(c0 + 1, 1, sem1)
            compute(0, c0, sem2)

            @pl.when(c0 + 1 < NCH)
            def _():
                pltpu.make_async_copy(h2t_hbm.at[sidx.at[0]],
                                      srows.at[1], sem1).wait()
                pltpu.make_async_copy(h2t_hbm.at[didx.at[0]],
                                      drows.at[1], sem1).wait()
                pltpu.make_async_copy(
                    evs_hbm.at[pl.ds(base_w, CH)], evc.at[1], sem1).wait()

                @pl.when(c0 + 2 < NCH)
                def _():
                    drain_nn = issue(c0 + 2, 0, sem0)
                compute(1, c0 + 1, sem3)

                @pl.when(c0 + 2 < NCH)
                def _():
                    pltpu.make_async_copy(h2t_hbm.at[sidx.at[0]],
                                          srows.at[0], sem0).wait()
                    pltpu.make_async_copy(h2t_hbm.at[didx.at[0]],
                                          drows.at[0], sem0).wait()
                    pltpu.make_async_copy(
                        evs_hbm.at[pl.ds(base_w, CH)], evc.at[0], sem0).wait()
            return carry
        lax.fori_loop(0, (NCH + 1) // 2, pair_body, 0)

        pltpu.make_async_copy(vals.at[0], acc.at[didx.at[0]], sem2).wait()
        pltpu.make_async_copy(vals.at[1], acc.at[didx.at[0]], sem3).wait()

        plsc.subcore_barrier()

        @pl.when(sid == 0)
        def _():
            pltpu.sync_copy(acc, out_hbm.at[cid])

    return k(h2t, evs, src3, dst3)


def _finish_tc(h2t, partials, w_out_perm):
    NF = N * H // 128

    fold = jnp.tile(jnp.eye(H, dtype=jnp.float32), (8, 8))

    def reduce_body(p_ref, f_ref, s_ref, z_ref):
        s = p_ref[0] + p_ref[1]
        z128 = jnp.sum(s, axis=0, keepdims=True)
        s_ref[...] = s
        z_ref[...] = jnp.dot(z128, f_ref[...],
                             preferred_element_type=jnp.float32,
                             precision=jax.lax.Precision.HIGHEST)

    s_flat, z_t = pl.pallas_call(
        reduce_body,
        in_specs=[pl.BlockSpec(memory_space=pltpu.VMEM),
                  pl.BlockSpec(memory_space=pltpu.VMEM)],
        out_specs=[pl.BlockSpec(memory_space=pltpu.VMEM),
                   pl.BlockSpec(memory_space=pltpu.VMEM)],
        out_shape=[jax.ShapeDtypeStruct((NF, 128), jnp.float32),
                   jax.ShapeDtypeStruct((1, 128), jnp.float32)],
    )(partials.reshape(2, NF, 128), fold)

    BM = 1000
    expand = jnp.tile(jnp.eye(H, dtype=jnp.float32), (1, D))

    def body(h_ref, s_ref, z_ref, t_ref, w_ref, o_ref):
        sn = s_ref[...] / z_ref[...]
        sm = jnp.dot(sn, t_ref[...], preferred_element_type=jnp.float32,
                     precision=jax.lax.Precision.HIGHEST)
        m = h_ref[...] * sm
        o_ref[...] = jnp.maximum(
            jnp.dot(m, w_ref[...], preferred_element_type=jnp.float32,
                    precision=jax.lax.Precision.HIGHEST), 0.0)

    return pl.pallas_call(
        body,
        grid=(N // BM,),
        in_specs=[pl.BlockSpec((BM, HD), lambda i: (i, 0)),
                  pl.BlockSpec((BM, H), lambda i: (i, 0)),
                  pl.BlockSpec((1, H), lambda i: (0, 0)),
                  pl.BlockSpec((H, HD), lambda i: (0, 0)),
                  pl.BlockSpec((HD, D), lambda i: (0, 0))],
        out_specs=pl.BlockSpec((BM, D), lambda i: (i, 0)),
        out_shape=jax.ShapeDtypeStruct((N, D), jnp.float32),
    )(h2t, s_flat.reshape(N, H), z_t[:, :H], expand, w_out_perm)


def kernel(x, edge_attr, edge_index, W, W_edge, W_edge_att, W_att, W_out):
    w_att_perm = jnp.einsum('dj,hk->hdjk', W_att,
                            jnp.eye(H, dtype=jnp.float32)).reshape(HD, HD)
    w_e1 = jnp.kron(jnp.eye(8, dtype=jnp.float32), W_edge)
    w_e2 = jnp.kron(jnp.eye(8, dtype=jnp.float32), W_edge_att * 16.0)
    w_out_perm = W_out.reshape(H, D, D).transpose(1, 0, 2).reshape(HD, D)

    NW = 32
    CH = 80
    src3 = edge_index[0].astype(jnp.int32).reshape(NW, E // (NW * CH), CH)
    dst3 = edge_index[1].astype(jnp.int32).reshape(NW, E // (NW * CH), CH)

    h2t = _matmul2_tc(x, W, w_att_perm, 1000)
    evs = _matmul2_tc(edge_attr.reshape(E // 8, 128), w_e1, w_e2,
                      2000).reshape(E, H)

    partials = _sc_edge_pass(h2t, evs, src3, dst3)

    return _finish_tc(h2t, partials, w_out_perm)

# --- scband reference (transcript-rebuilt; emitter-appended) ---
"""Pipeline reference for scband-structure-encoding-21912923144252 (READ-ONLY COPY).

The authoritative reference and input builder live on the scoring server;
editing this copy changes nothing except your own understanding.
"""

import jax, jax.numpy as jnp
import numpy as np

N_NODES = 10000
N_EDGES = 320000
INPUT_DIM = 128
HIDDEN_DIM = 16
N_HEADS = 16
EDGE_DIM = 16
EDGE_HIDDEN_DIM = 64


def setup_inputs(seed: int = 0) -> dict:
    key = jax.random.key(seed)
    ks = jax.random.split(key, 9)

    def _lin(k, fan_in, fan_out):
        bound = 1.0 / np.sqrt(fan_in)
        return jax.random.uniform(k, (fan_in, fan_out), dtype=jnp.float32, minval=-bound, maxval=bound)

    x = jax.random.normal(ks[0], (N_NODES, INPUT_DIM), dtype=jnp.float32)
    edge_attr = jax.random.normal(ks[1], (N_EDGES, EDGE_DIM), dtype=jnp.float32)
    edge_index = jax.random.randint(ks[2], (2, N_EDGES), 0, N_NODES, dtype=jnp.int64 if jax.config.read('jax_enable_x64') else jnp.int32)
    W = _lin(ks[3], INPUT_DIM, HIDDEN_DIM * N_HEADS)
    W_edge = _lin(ks[4], EDGE_DIM, EDGE_HIDDEN_DIM)
    W_edge_att = _lin(ks[5], EDGE_HIDDEN_DIM, N_HEADS)
    W_att = _lin(ks[6], HIDDEN_DIM, N_HEADS)
    W_out = _lin(ks[7], HIDDEN_DIM * N_HEADS, HIDDEN_DIM)
    return {"x": x, "edge_attr": edge_attr, "edge_index": edge_index,
            "W": W, "W_edge": W_edge, "W_edge_att": W_edge_att,
            "W_att": W_att, "W_out": W_out}


def reference(x, edge_attr, edge_index, W, W_edge, W_edge_att, W_att, W_out):
    N = x.shape[0]
    E = edge_index.shape[1]
    # x = W(x) -> [N, H*D], view [N, H, D]
    h = x @ W
    h = h.reshape(N, N_HEADS, HIDDEN_DIM)
    # x = W_att(x) applied to last dim: [N, H, n_heads] (n_heads == hidden_dim)
    h = h @ W_att
    # x = x * ones(1, H, D)  (identity broadcast since n_heads == hidden_dim)
    h = h * jnp.ones((1, N_HEADS, HIDDEN_DIM), dtype=h.dtype)
    # edge path
    e = edge_attr @ W_edge          # [E, edge_hidden_dim]
    e = e @ W_edge_att              # [E, n_heads]
    e = e[:, :, None]               # [E, H, 1]
    e = e * jnp.ones((E, N_HEADS, HIDDEN_DIM), dtype=h.dtype)  # [E, H, D]
    src = edge_index[0]
    dst = edge_index[1]
    x_src = jnp.take(h, src, axis=0)  # [E, H, D]
    x_dst = jnp.take(h, dst, axis=0)  # [E, H, D]
    alpha = (x_src * x_dst).sum(axis=-1) + e.sum(axis=-1)  # [E, H]
    alpha = jax.nn.leaky_relu(alpha, negative_slope=0.2)
    alpha = jax.nn.softmax(alpha, axis=0)  # softmax over all edges (dim=0), faithful to torch code
    x_dst = x_dst * alpha[:, :, None]
    out = jnp.zeros((N, N_HEADS, HIDDEN_DIM), dtype=h.dtype).at[dst].add(x_dst)
    out = out.reshape(N, -1)
    out = out @ W_out
    out = jax.nn.relu(out)
    # dropout p=0.0 -> identity (eval-style)
    return out

if __name__ == "__main__":
    import jax
    _d = setup_inputs()
    print(jax.jit(kernel)(*tuple(_d.values())))

</pallas_src>

<mosaic_0001>
#map = affine_map<(d0, d1) -> (0, 0)>
#map1 = affine_map<(d0, d1) -> (0, 0, 0)>
module attributes {stable_mosaic.version = 14 : i64} {
  func.func @k(%arg0: i32, %arg1: i32, %arg2: memref<10000x256xf32, #tpu.memory_space<hbm>>, %arg3: memref<320000x16xf32, #tpu.memory_space<hbm>>, %arg4: memref<32x125x80xi32, #tpu.memory_space<hbm>>, %arg5: memref<32x125x80xi32, #tpu.memory_space<hbm>>, %arg6: memref<2x10000x16xf32, #tpu.memory_space<hbm>>, %arg7: memref<125x80xi32, #tpu.memory_space<vmem>>, %arg8: memref<125x80xi32, #tpu.memory_space<vmem>>, %arg9: memref<2x80x256xf32, #tpu.memory_space<vmem>>, %arg10: memref<2x80x256xf32, #tpu.memory_space<vmem>>, %arg11: memref<2x80x16xf32, #tpu.memory_space<vmem>>, %arg12: memref<2x80x16xf32, #tpu.memory_space<vmem>>, %arg13: memref<250x16xf32, #tpu.memory_space<vmem>>, %arg14: memref<10000x16xf32, #tpu.memory_space<vmem_shared>>, %arg15: memref<!tpu.dma_semaphore, #tpu.memory_space<semaphore_mem>>, %arg16: memref<!tpu.dma_semaphore, #tpu.memory_space<semaphore_mem>>, %arg17: memref<!tpu.dma_semaphore, #tpu.memory_space<semaphore_mem>>, %arg18: memref<!tpu.dma_semaphore, #tpu.memory_space<semaphore_mem>>) attributes {dimension_semantics = [#tpu.dimension_semantics<core_parallel>, #tpu.dimension_semantics<subcore_parallel>], iteration_bounds = array<i64: 2, 16>, scalar_prefetch = 0 : i64, scratch_operands = 12 : i64, tpu.core_type = #tpu.core_type<sc_vector_subcore>, window_params = [{transform_indices = #map}, {transform_indices = #map}, {transform_indices = #map1}, {transform_indices = #map1}, {transform_indices = #map1}]} {
    %mul3A = arith.constant 2 : i32
    %mul3A_0 = arith.muli %arg1, %mul3A : i32
    %add3A = arith.addi %mul3A_0, %arg0 : i32
    %scan3A = arith.constant 0 : i32
    %scan3A_1 = arith.constant 0 : i32
    %scan3A_2 = arith.constant 250 : i32
    %scan3A_3 = arith.addi %scan3A_1, %scan3A_2 : i32
    %scan3A_4 = arith.constant 1 : i32
    scf.for %scan3A_121 = %scan3A_1 to %scan3A_3 step %scan3A_4  : i32 {
      %broadcast_in_dim3A = arith.constant 0.000000e+00 : f32
      %broadcast_in_dim3A_122 = vector.broadcast %broadcast_in_dim3A : f32 to vector<16xf32>
      %swap3A = arith.index_cast %scan3A_121 : i32 to index
      %swap3A_123 = arith.constant 0 : index
      %swap3A_124 = tpu.vector_load %arg13[%swap3A, %swap3A_123] {strides = array<i32>} : memref<250x16xf32, #tpu.memory_space<vmem>>, vector<1x16xf32>,
      %swap3A_125 = vector.shape_cast %swap3A_124 : vector<1x16xf32> to vector<16xf32>
      %swap3A_126 = vector.shape_cast %broadcast_in_dim3A_122 : vector<16xf32> to vector<1x16xf32>
      tpu.vector_store %arg13[%swap3A, %swap3A_123], %swap3A_126 {strides = array<i32>} : memref<250x16xf32, #tpu.memory_space<vmem>>, vector<1x16xf32>,
    }
    %scan3A_5 = arith.constant 250 : i32
    %scan3A_6 = arith.constant 0 : i32
    %scan3A_7 = arith.constant 0 : i32
    %scan3A_8 = arith.constant 40 : i32
    %scan3A_9 = arith.addi %scan3A_7, %scan3A_8 : i32
    %scan3A_10 = arith.constant 1 : i32
    scf.for %scan3A_121 = %scan3A_7 to %scan3A_9 step %scan3A_10  : i32 {
      %rem3A = arith.constant 16 : i32
      %rem3A_122 = arith.remsi %scan3A_121, %rem3A : i32
      %eq3A_123 = arith.cmpi eq, %rem3A_122, %arg1 : i32
      %convert_element_type3A_124 = arith.extui %eq3A_123 : i1 to i32
      %cond3A_125 = arith.constant 0 : i32
      %cond3A_126 = arith.cmpi ne, %convert_element_type3A_124, %cond3A_125 : i32
      scf.if %cond3A_126 {
        %mul3A_127 = arith.constant 250 : i32
        %mul3A_128 = arith.muli %scan3A_121, %mul3A_127 : i32
        "tpu.region"() ({
          %run_scoped3A = tpu.sem_alloc : memref<!tpu.dma_semaphore, #tpu.memory_space<semaphore_mem>>
          %dma_start3A_129 = arith.constant 0 : i32
          %dma_start3A_130 = tpu.memref_slice %arg14[%mul3A_128, %dma_start3A_129] : memref<10000x16xf32, #tpu.memory_space<vmem_shared>> -> memref<250x16xf32, #tpu.memory_space<vmem_shared>>
          %dma_start3A_131 = arith.constant 0 : i32
          %dma_start3A_132 = tpu.memref_slice %arg14[%mul3A_128, %dma_start3A_131] : memref<10000x16xf32, #tpu.memory_space<vmem_shared>> -> memref<250x16xf32, #tpu.memory_space<vmem_shared>>
          tpu.enqueue_dma source(%arg13 : memref<250x16xf32, #tpu.memory_space<vmem>>) target(%dma_start3A_132 : memref<250x16xf32, #tpu.memory_space<vmem_shared>>) target_semaphore(%run_scoped3A : memref<!tpu.dma_semaphore, #tpu.memory_space<semaphore_mem>>)
          %dma_wait3A_133 = arith.constant 0 : i32
          %dma_wait3A_134 = tpu.memref_slice %arg14[%mul3A_128, %dma_wait3A_133] : memref<10000x16xf32, #tpu.memory_space<vmem_shared>> -> memref<250x16xf32, #tpu.memory_space<vmem_shared>>
          %dma_wait3A_135 = arith.constant 0 : i32
          %dma_wait3A_136 = tpu.memref_slice %arg14[%mul3A_128, %dma_wait3A_135] : memref<10000x16xf32, #tpu.memory_space<vmem_shared>> -> memref<250x16xf32, #tpu.memory_space<vmem_shared>>
          tpu.wait_dma2 semaphore(%run_scoped3A : memref<!tpu.dma_semaphore, #tpu.memory_space<semaphore_mem>>) src(%arg13 : memref<250x16xf32, #tpu.memory_space<vmem>>) dst(%dma_wait3A_136 : memref<250x16xf32, #tpu.memory_space<vmem_shared>>)
          tpu.yield
        }) : () -> ()
      } else {
      }
    }
    %scan3A_11 = arith.constant 40 : i32
    %barrier3A = arith.constant 0 : index
    tpu.barrier barrier_id(%barrier3A)
    "tpu.region"() ({
      %run_scoped3A = tpu.sem_alloc : memref<!tpu.dma_semaphore, #tpu.memory_space<semaphore_mem>>
      %dma_start3A_121 = arith.constant 0 : i32
      %dma_start3A_122 = arith.constant 0 : i32
      %dma_start3A_123 = tpu.memref_slice %arg4[%add3A, %dma_start3A_121, %dma_start3A_122] : memref<32x125x80xi32, #tpu.memory_space<hbm>> -> memref<1x125x80xi32, #tpu.memory_space<hbm>>
      %dma_start3A_124 = tpu.memref_squeeze %dma_start3A_123 : memref<1x125x80xi32, #tpu.memory_space<hbm>> -> memref<125x80xi32, #tpu.memory_space<hbm>>
      %dma_start3A_125 = arith.constant 0 : i32
      %dma_start3A_126 = arith.constant 0 : i32
      %dma_start3A_127 = tpu.memref_slice %arg4[%add3A, %dma_start3A_125, %dma_start3A_126] : memref<32x125x80xi32, #tpu.memory_space<hbm>> -> memref<1x125x80xi32, #tpu.memory_space<hbm>>
      %dma_start3A_128 = tpu.memref_squeeze %dma_start3A_127 : memref<1x125x80xi32, #tpu.memory_space<hbm>> -> memref<125x80xi32, #tpu.memory_space<hbm>>
      tpu.enqueue_dma source(%dma_start3A_128 : memref<125x80xi32, #tpu.memory_space<hbm>>) target(%arg7 : memref<125x80xi32, #tpu.memory_space<vmem>>) target_semaphore(%run_scoped3A : memref<!tpu.dma_semaphore, #tpu.memory_space<semaphore_mem>>)
      %dma_wait3A_129 = arith.constant 0 : i32
      %dma_wait3A_130 = arith.constant 0 : i32
      %dma_wait3A_131 = tpu.memref_slice %arg4[%add3A, %dma_wait3A_129, %dma_wait3A_130] : memref<32x125x80xi32, #tpu.memory_space<hbm>> -> memref<1x125x80xi32, #tpu.memory_space<hbm>>
      %dma_wait3A_132 = tpu.memref_squeeze %dma_wait3A_131 : memref<1x125x80xi32, #tpu.memory_space<hbm>> -> memref<125x80xi32, #tpu.memory_space<hbm>>
      %dma_wait3A_133 = arith.constant 0 : i32
      %dma_wait3A_134 = arith.constant 0 : i32
      %dma_wait3A_135 = tpu.memref_slice %arg4[%add3A, %dma_wait3A_133, %dma_wait3A_134] : memref<32x125x80xi32, #tpu.memory_space<hbm>> -> memref<1x125x80xi32, #tpu.memory_space<hbm>>
      %dma_wait3A_136 = tpu.memref_squeeze %dma_wait3A_135 : memref<1x125x80xi32, #tpu.memory_space<hbm>> -> memref<125x80xi32, #tpu.memory_space<hbm>>
      tpu.wait_dma2 semaphore(%run_scoped3A : memref<!tpu.dma_semaphore, #tpu.memory_space<semaphore_mem>>) src(%dma_wait3A_136 : memref<125x80xi32, #tpu.memory_space<hbm>>) dst(%arg7 : memref<125x80xi32, #tpu.memory_space<vmem>>)
      tpu.yield
    }) : () -> ()
    "tpu.region"() ({
      %run_scoped3A = tpu.sem_alloc : memref<!tpu.dma_semaphore, #tpu.memory_space<semaphore_mem>>
      %dma_start3A_121 = arith.constant 0 : i32
      %dma_start3A_122 = arith.constant 0 : i32
      %dma_start3A_123 = tpu.memref_slice %arg5[%add3A, %dma_start3A_121, %dma_start3A_122] : memref<32x125x80xi32, #tpu.memory_space<hbm>> -> memref<1x125x80xi32, #tpu.memory_space<hbm>>
      %dma_start3A_124 = tpu.memref_squeeze %dma_start3A_123 : memref<1x125x80xi32, #tpu.memory_space<hbm>> -> memref<125x80xi32, #tpu.memory_space<hbm>>
      %dma_start3A_125 = arith.constant 0 : i32
      %dma_start3A_126 = arith.constant 0 : i32
      %dma_start3A_127 = tpu.memref_slice %arg5[%add3A, %dma_start3A_125, %dma_start3A_126] : memref<32x125x80xi32, #tpu.memory_space<hbm>> -> memref<1x125x80xi32, #tpu.memory_space<hbm>>
      %dma_start3A_128 = tpu.memref_squeeze %dma_start3A_127 : memref<1x125x80xi32, #tpu.memory_space<hbm>> -> memref<125x80xi32, #tpu.memory_space<hbm>>
      tpu.enqueue_dma source(%dma_start3A_128 : memref<125x80xi32, #tpu.memory_space<hbm>>) target(%arg8 : memref<125x80xi32, #tpu.memory_space<vmem>>) target_semaphore(%run_scoped3A : memref<!tpu.dma_semaphore, #tpu.memory_space<semaphore_mem>>)
      %dma_wait3A_129 = arith.constant 0 : i32
      %dma_wait3A_130 = arith.constant 0 : i32
      %dma_wait3A_131 = tpu.memref_slice %arg5[%add3A, %dma_wait3A_129, %dma_wait3A_130] : memref<32x125x80xi32, #tpu.memory_space<hbm>> -> memref<1x125x80xi32, #tpu.memory_space<hbm>>
      %dma_wait3A_132 = tpu.memref_squeeze %dma_wait3A_131 : memref<1x125x80xi32, #tpu.memory_space<hbm>> -> memref<125x80xi32, #tpu.memory_space<hbm>>
      %dma_wait3A_133 = arith.constant 0 : i32
      %dma_wait3A_134 = arith.constant 0 : i32
      %dma_wait3A_135 = tpu.memref_slice %arg5[%add3A, %dma_wait3A_133, %dma_wait3A_134] : memref<32x125x80xi32, #tpu.memory_space<hbm>> -> memref<1x125x80xi32, #tpu.memory_space<hbm>>
      %dma_wait3A_136 = tpu.memref_squeeze %dma_wait3A_135 : memref<1x125x80xi32, #tpu.memory_space<hbm>> -> memref<125x80xi32, #tpu.memory_space<hbm>>
      tpu.wait_dma2 semaphore(%run_scoped3A : memref<!tpu.dma_semaphore, #tpu.memory_space<semaphore_mem>>) src(%dma_wait3A_136 : memref<125x80xi32, #tpu.memory_space<hbm>>) dst(%arg8 : memref<125x80xi32, #tpu.memory_space<vmem>>)
      tpu.yield
    }) : () -> ()
    %mul3A_12 = arith.constant 10000 : i32
    %mul3A_13 = arith.muli %add3A, %mul3A_12 : i32
    %dma_start3A = arith.constant 0 : i32
    %dma_start3A_14 = arith.constant 0 : i32
    %dma_start3A_15 = arith.constant 0 : i32
    %dma_start3A_16 = arith.constant 0 : i32
    %dma_start3A_17 = tpu.memref_slice %arg9[%dma_start3A_14, %dma_start3A_15, %dma_start3A_16] : memref<2x80x256xf32, #tpu.memory_space<vmem>> -> memref<1x80x256xf32, #tpu.memory_space<vmem>>
    %dma_start3A_18 = tpu.memref_squeeze %dma_start3A_17 : memref<1x80x256xf32, #tpu.memory_space<vmem>> -> memref<80x256xf32, #tpu.memory_space<vmem>>
    %dma_start3A_19 = arith.constant 0 : i32
    %dma_start3A_20 = tpu.memref_slice %arg7[%dma_start3A, %dma_start3A_19] : memref<125x80xi32, #tpu.memory_space<vmem>> -> memref<1x80xi32, #tpu.memory_space<vmem>>
    %dma_start3A_21 = tpu.memref_squeeze %dma_start3A_20 : memref<1x80xi32, #tpu.memory_space<vmem>> -> memref<80xi32, #tpu.memory_space<vmem>>
    %dma_start3A_22 = arith.constant 0 : i32
    %dma_start3A_23 = arith.constant 0 : i32
    %dma_start3A_24 = tpu.memref_slice %arg2[%dma_start3A_22, %dma_start3A_23] : memref<10000x256xf32, #tpu.memory_space<hbm>> -> memref<10000x256xf32, #tpu.memory_space<hbm>>
    tpu.enqueue_indirect_dma source(%dma_start3A_24 : memref<10000x256xf32, #tpu.memory_space<hbm>>) target(%dma_start3A_18 : memref<80x256xf32, #tpu.memory_space<vmem>>) offsets(%dma_start3A_21 : memref<80xi32, #tpu.memory_space<vmem>>) semaphore(%arg15 : memref<!tpu.dma_semaphore, #tpu.memory_space<semaphore_mem>>)
    %dma_start3A_25 = arith.constant 0 : i32
    %dma_start3A_26 = arith.constant 0 : i32
    %dma_start3A_27 = arith.constant 0 : i32
    %dma_start3A_28 = arith.constant 0 : i32
    %dma_start3A_29 = tpu.memref_slice %arg10[%dma_start3A_26, %dma_start3A_27, %dma_start3A_28] : memref<2x80x256xf32, #tpu.memory_space<vmem>> -> memref<1x80x256xf32, #tpu.memory_space<vmem>>
    %dma_start3A_30 = tpu.memref_squeeze %dma_start3A_29 : memref<1x80x256xf32, #tpu.memory_space<vmem>> -> memref<80x256xf32, #tpu.memory_space<vmem>>
    %dma_start3A_31 = arith.constant 0 : i32
    %dma_start3A_32 = tpu.memref_slice %arg8[%dma_start3A_25, %dma_start3A_31] : memref<125x80xi32, #tpu.memory_space<vmem>> -> memref<1x80xi32, #tpu.memory_space<vmem>>
    %dma_start3A_33 = tpu.memref_squeeze %dma_start3A_32 : memref<1x80xi32, #tpu.memory_space<vmem>> -> memref<80xi32, #tpu.memory_space<vmem>>
    %dma_start3A_34 = arith.constant 0 : i32
    %dma_start3A_35 = arith.constant 0 : i32
    %dma_start3A_36 = tpu.memref_slice %arg2[%dma_start3A_34, %dma_start3A_35] : memref<10000x256xf32, #tpu.memory_space<hbm>> -> memref<10000x256xf32, #tpu.memory_space<hbm>>
    tpu.enqueue_indirect_dma source(%dma_start3A_36 : memref<10000x256xf32, #tpu.memory_space<hbm>>) target(%dma_start3A_30 : memref<80x256xf32, #tpu.memory_space<vmem>>) offsets(%dma_start3A_33 : memref<80xi32, #tpu.memory_space<vmem>>) semaphore(%arg15 : memref<!tpu.dma_semaphore, #tpu.memory_space<semaphore_mem>>)
    %add3A_37 = arith.constant 0 : i32
    %add3A_38 = arith.addi %mul3A_13, %add3A_37 : i32
    %dma_start3A_39 = arith.constant 0 : i32
    %dma_start3A_40 = arith.constant 0 : i32
    %dma_start3A_41 = arith.constant 0 : i32
    %dma_start3A_42 = tpu.memref_slice %arg11[%dma_start3A_39, %dma_start3A_40, %dma_start3A_41] : memref<2x80x16xf32, #tpu.memory_space<vmem>> -> memref<1x80x16xf32, #tpu.memory_space<vmem>>
    %dma_start3A_43 = tpu.memref_squeeze %dma_start3A_42 : memref<1x80x16xf32, #tpu.memory_space<vmem>> -> memref<80x16xf32, #tpu.memory_space<vmem>>
    %dma_start3A_44 = arith.constant 0 : i32
    %dma_start3A_45 = tpu.memref_slice %arg3[%add3A_38, %dma_start3A_44] : memref<320000x16xf32, #tpu.memory_space<hbm>> -> memref<80x16xf32, #tpu.memory_space<hbm>>
    %dma_start3A_46 = arith.constant 0 : i32
    %dma_start3A_47 = arith.constant 0 : i32
    %dma_start3A_48 = tpu.memref_slice %arg11[%dma_start3A_39, %dma_start3A_46, %dma_start3A_47] : memref<2x80x16xf32, #tpu.memory_space<vmem>> -> memref<1x80x16xf32, #tpu.memory_space<vmem>>
    %dma_start3A_49 = tpu.memref_squeeze %dma_start3A_48 : memref<1x80x16xf32, #tpu.memory_space<vmem>> -> memref<80x16xf32, #tpu.memory_space<vmem>>
    %dma_start3A_50 = arith.constant 0 : i32
    %dma_start3A_51 = tpu.memref_slice %arg3[%add3A_38, %dma_start3A_50] : memref<320000x16xf32, #tpu.memory_space<hbm>> -> memref<80x16xf32, #tpu.memory_space<hbm>>
    tpu.enqueue_dma source(%dma_start3A_51 : memref<80x16xf32, #tpu.memory_space<hbm>>) target(%dma_start3A_49 : memref<80x16xf32, #tpu.memory_space<vmem>>) target_semaphore(%arg15 : memref<!tpu.dma_semaphore, #tpu.memory_space<semaphore_mem>>)
    %dma_wait3A = arith.constant 0 : i32
    %dma_wait3A_52 = arith.constant 0 : i32
    %dma_wait3A_53 = arith.constant 0 : i32
    %dma_wait3A_54 = arith.constant 0 : i32
    %dma_wait3A_55 = tpu.memref_slice %arg9[%dma_wait3A_52, %dma_wait3A_53, %dma_wait3A_54] : memref<2x80x256xf32, #tpu.memory_space<vmem>> -> memref<1x80x256xf32, #tpu.memory_space<vmem>>
    %dma_wait3A_56 = tpu.memref_squeeze %dma_wait3A_55 : memref<1x80x256xf32, #tpu.memory_space<vmem>> -> memref<80x256xf32, #tpu.memory_space<vmem>>
    %dma_wait3A_57 = arith.constant 0 : i32
    %dma_wait3A_58 = tpu.memref_slice %arg7[%dma_wait3A, %dma_wait3A_57] : memref<125x80xi32, #tpu.memory_space<vmem>> -> memref<1x80xi32, #tpu.memory_space<vmem>>
    %dma_wait3A_59 = tpu.memref_squeeze %dma_wait3A_58 : memref<1x80xi32, #tpu.memory_space<vmem>> -> memref<80xi32, #tpu.memory_space<vmem>>
    %dma_wait3A_60 = arith.constant 0 : i32
    %dma_wait3A_61 = arith.constant 0 : i32
    %dma_wait3A_62 = tpu.memref_slice %arg2[%dma_wait3A_60, %dma_wait3A_61] : memref<10000x256xf32, #tpu.memory_space<hbm>> -> memref<10000x256xf32, #tpu.memory_space<hbm>>
    tpu.wait_indirect_dma semaphore(%arg15 : memref<!tpu.dma_semaphore, #tpu.memory_space<semaphore_mem>>) src(%dma_wait3A_62 : memref<10000x256xf32, #tpu.memory_space<hbm>>) dst(%dma_wait3A_56 : memref<80x256xf32, #tpu.memory_space<vmem>>)
    %dma_wait3A_63 = arith.constant 0 : i32
    %dma_wait3A_64 = arith.constant 0 : i32
    %dma_wait3A_65 = arith.constant 0 : i32
    %dma_wait3A_66 = arith.constant 0 : i32
    %dma_wait3A_67 = tpu.memref_slice %arg10[%dma_wait3A_64, %dma_wait3A_65, %dma_wait3A_66] : memref<2x80x256xf32, #tpu.memory_space<vmem>> -> memref<1x80x256xf32, #tpu.memory_space<vmem>>
    %dma_wait3A_68 = tpu.memref_squeeze %dma_wait3A_67 : memref<1x80x256xf32, #tpu.memory_space<vmem>> -> memref<80x256xf32, #tpu.memory_space<vmem>>
    %dma_wait3A_69 = arith.constant 0 : i32
    %dma_wait3A_70 = tpu.memref_slice %arg8[%dma_wait3A_63, %dma_wait3A_69] : memref<125x80xi32, #tpu.memory_space<vmem>> -> memref<1x80xi32, #tpu.memory_space<vmem>>
    %dma_wait3A_71 = tpu.memref_squeeze %dma_wait3A_70 : memref<1x80xi32, #tpu.memory_space<vmem>> -> memref<80xi32, #tpu.memory_space<vmem>>
    %dma_wait3A_72 = arith.constant 0 : i32
    %dma_wait3A_73 = arith.constant 0 : i32
    %dma_wait3A_74 = tpu.memref_slice %arg2[%dma_wait3A_72, %dma_wait3A_73] : memref<10000x256xf32, #tpu.memory_space<hbm>> -> memref<10000x256xf32, #tpu.memory_space<hbm>>
    tpu.wait_indirect_dma semaphore(%arg15 : memref<!tpu.dma_semaphore, #tpu.memory_space<semaphore_mem>>) src(%dma_wait3A_74 : memref<10000x256xf32, #tpu.memory_space<hbm>>) dst(%dma_wait3A_68 : memref<80x256xf32, #tpu.memory_space<vmem>>)
    %dma_wait3A_75 = arith.constant 0 : i32
    %dma_wait3A_76 = arith.constant 0 : i32
    %dma_wait3A_77 = arith.constant 0 : i32
    %dma_wait3A_78 = tpu.memref_slice %arg11[%dma_wait3A_75, %dma_wait3A_76, %dma_wait3A_77] : memref<2x80x16xf32, #tpu.memory_space<vmem>> -> memref<1x80x16xf32, #tpu.memory_space<vmem>>
    %dma_wait3A_79 = tpu.memref_squeeze %dma_wait3A_78 : memref<1x80x16xf32, #tpu.memory_space<vmem>> -> memref<80x16xf32, #tpu.memory_space<vmem>>
    %dma_wait3A_80 = arith.constant 0 : i32
    %dma_wait3A_81 = tpu.memref_slice %arg3[%add3A_38, %dma_wait3A_80] : memref<320000x16xf32, #tpu.memory_space<hbm>> -> memref<80x16xf32, #tpu.memory_space<hbm>>
    %dma_wait3A_82 = arith.constant 0 : i32
    %dma_wait3A_83 = arith.constant 0 : i32
    %dma_wait3A_84 = tpu.memref_slice %arg11[%dma_wait3A_75, %dma_wait3A_82, %dma_wait3A_83] : memref<2x80x16xf32, #tpu.memory_space<vmem>> -> memref<1x80x16xf32, #tpu.memory_space<vmem>>
    %dma_wait3A_85 = tpu.memref_squeeze %dma_wait3A_84 : memref<1x80x16xf32, #tpu.memory_space<vmem>> -> memref<80x16xf32, #tpu.memory_space<vmem>>
    %dma_wait3A_86 = arith.constant 0 : i32
    %dma_wait3A_87 = tpu.memref_slice %arg3[%add3A_38, %dma_wait3A_86] : memref<320000x16xf32, #tpu.memory_space<hbm>> -> memref<80x16xf32, #tpu.memory_space<hbm>>
    tpu.wait_dma2 semaphore(%arg15 : memref<!tpu.dma_semaphore, #tpu.memory_space<semaphore_mem>>) src(%dma_wait3A_87 : memref<80x16xf32, #tpu.memory_space<hbm>>) dst(%dma_wait3A_85 : memref<80x16xf32, #tpu.memory_space<vmem>>)
    %scan3A_88 = arith.constant 0 : i32
    %scan3A_89 = arith.constant 0 : i32
    %scan3A_90 = arith.constant 63 : i32
    %scan3A_91 = arith.addi %scan3A_89, %scan3A_90 : i32
    %scan3A_92 = arith.constant 1 : i32
    scf.for %scan3A_121 = %scan3A_89 to %scan3A_91 step %scan3A_92  : i32 {
      %mul3A_122 = arith.constant 2 : i32
      %mul3A_123 = arith.muli %scan3A_121, %mul3A_122 : i32
      %add3A_124 = arith.constant 1 : i32
      %add3A_125 = arith.addi %mul3A_123, %add3A_124 : i32
      %lt3A = arith.constant 125 : i32
      %lt3A_126 = arith.cmpi slt, %add3A_125, %lt3A : i32
      %convert_element_type3A_127 = arith.extui %lt3A_126 : i1 to i32
      %cond3A_128 = arith.constant 0 : i32
      %cond3A_129 = arith.cmpi ne, %convert_element_type3A_127, %cond3A_128 : i32
      scf.if %cond3A_129 {
        %add3A_158 = arith.constant 1 : i32
        %add3A_159 = arith.addi %mul3A_123, %add3A_158 : i32
        %dma_start3A_160 = arith.constant 1 : i32
        %dma_start3A_161 = arith.constant 0 : i32
        %dma_start3A_162 = arith.constant 0 : i32
        %dma_start3A_163 = tpu.memref_slice %arg9[%dma_start3A_160, %dma_start3A_161, %dma_start3A_162] : memref<2x80x256xf32, #tpu.memory_space<vmem>> -> memref<1x80x256xf32, #tpu.memory_space<vmem>>
        %dma_start3A_164 = tpu.memref_squeeze %dma_start3A_163 : memref<1x80x256xf32, #tpu.memory_space<vmem>> -> memref<80x256xf32, #tpu.memory_space<vmem>>
        %dma_start3A_165 = arith.constant 0 : i32
        %dma_start3A_166 = tpu.memref_slice %arg7[%add3A_159, %dma_start3A_165] : memref<125x80xi32, #tpu.memory_space<vmem>> -> memref<1x80xi32, #tpu.memory_space<vmem>>
        %dma_start3A_167 = tpu.memref_squeeze %dma_start3A_166 : memref<1x80xi32, #tpu.memory_space<vmem>> -> memref<80xi32, #tpu.memory_space<vmem>>
        %dma_start3A_168 = arith.constant 0 : i32
        %dma_start3A_169 = arith.constant 0 : i32
        %dma_start3A_170 = tpu.memref_slice %arg2[%dma_start3A_168, %dma_start3A_169] : memref<10000x256xf32, #tpu.memory_space<hbm>> -> memref<10000x256xf32, #tpu.memory_space<hbm>>
        tpu.enqueue_indirect_dma source(%dma_start3A_170 : memref<10000x256xf32, #tpu.memory_space<hbm>>) target(%dma_start3A_164 : memref<80x256xf32, #tpu.memory_space<vmem>>) offsets(%dma_start3A_167 : memref<80xi32, #tpu.memory_space<vmem>>) semaphore(%arg16 : memref<!tpu.dma_semaphore, #tpu.memory_space<semaphore_mem>>)
        %dma_start3A_171 = arith.constant 1 : i32
        %dma_start3A_172 = arith.constant 0 : i32
        %dma_start3A_173 = arith.constant 0 : i32
        %dma_start3A_174 = tpu.memref_slice %arg10[%dma_start3A_171, %dma_start3A_172, %dma_start3A_173] : memref<2x80x256xf32, #tpu.memory_space<vmem>> -> memref<1x80x256xf32, #tpu.memory_space<vmem>>
        %dma_start3A_175 = tpu.memref_squeeze %dma_start3A_174 : memref<1x80x256xf32, #tpu.memory_space<vmem>> -> memref<80x256xf32, #tpu.memory_space<vmem>>
        %dma_start3A_176 = arith.constant 0 : i32
        %dma_start3A_177 = tpu.memref_slice %arg8[%add3A_159, %dma_start3A_176] : memref<125x80xi32, #tpu.memory_space<vmem>> -> memref<1x80xi32, #tpu.memory_space<vmem>>
        %dma_start3A_178 = tpu.memref_squeeze %dma_start3A_177 : memref<1x80xi32, #tpu.memory_space<vmem>> -> memref<80xi32, #tpu.memory_space<vmem>>
        %dma_start3A_179 = arith.constant 0 : i32
        %dma_start3A_180 = arith.constant 0 : i32
        %dma_start3A_181 = tpu.memref_slice %arg2[%dma_start3A_179, %dma_start3A_180] : memref<10000x256xf32, #tpu.memory_space<hbm>> -> memref<10000x256xf32, #tpu.memory_space<hbm>>
        tpu.enqueue_indirect_dma source(%dma_start3A_181 : memref<10000x256xf32, #tpu.memory_space<hbm>>) target(%dma_start3A_175 : memref<80x256xf32, #tpu.memory_space<vmem>>) offsets(%dma_start3A_178 : memref<80xi32, #tpu.memory_space<vmem>>) semaphore(%arg16 : memref<!tpu.dma_semaphore, #tpu.memory_space<semaphore_mem>>)
        %mul3A_182 = arith.constant 80 : i32
        %mul3A_183 = arith.muli %add3A_159, %mul3A_182 : i32
        %add3A_184 = arith.addi %mul3A_13, %mul3A_183 : i32
        %dma_start3A_185 = arith.constant 1 : i32
        %dma_start3A_186 = arith.constant 0 : i32
        %dma_start3A_187 = arith.constant 0 : i32
        %dma_start3A_188 = tpu.memref_slice %arg11[%dma_start3A_185, %dma_start3A_186, %dma_start3A_187] : memref<2x80x16xf32, #tpu.memory_space<vmem>> -> memref<1x80x16xf32, #tpu.memory_space<vmem>>
        %dma_start3A_189 = tpu.memref_squeeze %dma_start3A_188 : memref<1x80x16xf32, #tpu.memory_space<vmem>> -> memref<80x16xf32, #tpu.memory_space<vmem>>
        %dma_start3A_190 = arith.constant 0 : i32
        %dma_start3A_191 = tpu.memref_slice %arg3[%add3A_184, %dma_start3A_190] : memref<320000x16xf32, #tpu.memory_space<hbm>> -> memref<80x16xf32, #tpu.memory_space<hbm>>
        %dma_start3A_192 = arith.constant 0 : i32
        %dma_start3A_193 = arith.constant 0 : i32
        %dma_start3A_194 = tpu.memref_slice %arg11[%dma_start3A_185, %dma_start3A_192, %dma_start3A_193] : memref<2x80x16xf32, #tpu.memory_space<vmem>> -> memref<1x80x16xf32, #tpu.memory_space<vmem>>
        %dma_start3A_195 = tpu.memref_squeeze %dma_start3A_194 : memref<1x80x16xf32, #tpu.memory_space<vmem>> -> memref<80x16xf32, #tpu.memory_space<vmem>>
        %dma_start3A_196 = arith.constant 0 : i32
        %dma_start3A_197 = tpu.memref_slice %arg3[%add3A_184, %dma_start3A_196] : memref<320000x16xf32, #tpu.memory_space<hbm>> -> memref<80x16xf32, #tpu.memory_space<hbm>>
        tpu.enqueue_dma source(%dma_start3A_197 : memref<80x16xf32, #tpu.memory_space<hbm>>) target(%dma_start3A_195 : memref<80x16xf32, #tpu.memory_space<vmem>>) target_semaphore(%arg16 : memref<!tpu.dma_semaphore, #tpu.memory_space<semaphore_mem>>)
      } else {
      }
      %ge3A = arith.constant 2 : i32
      %ge3A_130 = arith.cmpi sge, %mul3A_123, %ge3A : i32
      %convert_element_type3A_131 = arith.extui %ge3A_130 : i1 to i32
      %cond3A_132 = arith.constant 0 : i32
      %cond3A_133 = arith.cmpi ne, %convert_element_type3A_131, %cond3A_132 : i32
      scf.if %cond3A_133 {
        %dma_wait3A_158 = arith.constant 0 : i32
        %dma_wait3A_159 = arith.constant 0 : i32
        %dma_wait3A_160 = arith.constant 0 : i32
        %dma_wait3A_161 = arith.constant 0 : i32
        %dma_wait3A_162 = tpu.memref_slice %arg12[%dma_wait3A_158, %dma_wait3A_160, %dma_wait3A_161] : memref<2x80x16xf32, #tpu.memory_space<vmem>> -> memref<1x80x16xf32, #tpu.memory_space<vmem>>
        %dma_wait3A_163 = tpu.memref_squeeze %dma_wait3A_162 : memref<1x80x16xf32, #tpu.memory_space<vmem>> -> memref<80x16xf32, #tpu.memory_space<vmem>>
        %dma_wait3A_164 = arith.constant 0 : i32
        %dma_wait3A_165 = tpu.memref_slice %arg8[%dma_wait3A_159, %dma_wait3A_164] : memref<125x80xi32, #tpu.memory_space<vmem>> -> memref<1x80xi32, #tpu.memory_space<vmem>>
        %dma_wait3A_166 = tpu.memref_squeeze %dma_wait3A_165 : memref<1x80xi32, #tpu.memory_space<vmem>> -> memref<80xi32, #tpu.memory_space<vmem>>
        %dma_wait3A_167 = arith.constant 0 : i32
        %dma_wait3A_168 = arith.constant 0 : i32
        %dma_wait3A_169 = tpu.memref_slice %arg14[%dma_wait3A_167, %dma_wait3A_168] : memref<10000x16xf32, #tpu.memory_space<vmem_shared>> -> memref<10000x16xf32, #tpu.memory_space<vmem_shared>>
        tpu.wait_indirect_dma semaphore(%arg17 : memref<!tpu.dma_semaphore, #tpu.memory_space<semaphore_mem>>) src(%dma_wait3A_163 : memref<80x16xf32, #tpu.memory_space<vmem>>) dst(%dma_wait3A_169 : memref<10000x16xf32, #tpu.memory_space<vmem_shared>>)
      } else {
      }
      %scan3A_134 = arith.constant 0 : i32
      %scan3A_135 = arith.constant 0 : i32
      %scan3A_136 = arith.constant 80 : i32
      %scan3A_137 = arith.addi %scan3A_135, %scan3A_136 : i32
      %scan3A_138 = arith.constant 1 : i32
      scf.for %scan3A_158 = %scan3A_135 to %scan3A_137 step %scan3A_138  : i32 {
        %get3A = arith.constant 0 : i32
        %get3A_159 = arith.index_cast %get3A : i32 to index
        %get3A_160 = arith.index_cast %scan3A_158 : i32 to index
        %get3A_161 = arith.constant 0 : index
        %get3A_162 = tpu.vector_load %arg9[%get3A_159, %get3A_160, %get3A_161] {strides = array<i32>} : memref<2x80x256xf32, #tpu.memory_space<vmem>>, vector<1x1x16xf32>,
        %get3A_163 = vector.shape_cast %get3A_162 : vector<1x1x16xf32> to vector<16xf32>
        %get3A_164 = arith.constant 0 : i32
        %get3A_165 = arith.index_cast %get3A_164 : i32 to index
        %get3A_166 = arith.index_cast %scan3A_158 : i32 to index
        %get3A_167 = arith.constant 0 : index
        %get3A_168 = tpu.vector_load %arg10[%get3A_165, %get3A_166, %get3A_167] {strides = array<i32>} : memref<2x80x256xf32, #tpu.memory_space<vmem>>, vector<1x1x16xf32>,
        %get3A_169 = vector.shape_cast %get3A_168 : vector<1x1x16xf32> to vector<16xf32>
        %mul3A_170 = arith.mulf %get3A_163, %get3A_169 : vector<16xf32>
        %get3A_171 = arith.constant 0 : i32
        %get3A_172 = arith.index_cast %get3A_171 : i32 to index
        %get3A_173 = arith.index_cast %scan3A_158 : i32 to index
        %get3A_174 = arith.constant 16 : index
        %get3A_175 = tpu.vector_load %arg9[%get3A_172, %get3A_173, %get3A_174] {strides = array<i32>} : memref<2x80x256xf32, #tpu.memory_space<vmem>>, vector<1x1x16xf32>,
        %get3A_176 = vector.shape_cast %get3A_175 : vector<1x1x16xf32> to vector<16xf32>
        %get3A_177 = arith.constant 0 : i32
        %get3A_178 = arith.index_cast %get3A_177 : i32 to index
        %get3A_179 = arith.index_cast %scan3A_158 : i32 to index
        %get3A_180 = arith.constant 16 : index
        %get3A_181 = tpu.vector_load %arg10[%get3A_178, %get3A_179, %get3A_180] {strides = array<i32>} : memref<2x80x256xf32, #tpu.memory_space<vmem>>, vector<1x1x16xf32>,
        %get3A_182 = vector.shape_cast %get3A_181 : vector<1x1x16xf32> to vector<16xf32>
        %mul3A_183 = arith.mulf %get3A_176, %get3A_182 : vector<16xf32>
        %add3A_184 = arith.addf %mul3A_170, %mul3A_183 : vector<16xf32>
        %get3A_185 = arith.constant 0 : i32
        %get3A_186 = arith.index_cast %get3A_185 : i32 to index
        %get3A_187 = arith.index_cast %scan3A_158 : i32 to index
        %get3A_188 = arith.constant 32 : index
        %get3A_189 = tpu.vector_load %arg9[%get3A_186, %get3A_187, %get3A_188] {strides = array<i32>} : memref<2x80x256xf32, #tpu.memory_space<vmem>>, vector<1x1x16xf32>,
        %get3A_190 = vector.shape_cast %get3A_189 : vector<1x1x16xf32> to vector<16xf32>
        %get3A_191 = arith.constant 0 : i32
        %get3A_192 = arith.index_cast %get3A_191 : i32 to index
        %get3A_193 = arith.index_cast %scan3A_158 : i32 to index
        %get3A_194 = arith.constant 32 : index
        %get3A_195 = tpu.vector_load %arg10[%get3A_192, %get3A_193, %get3A_194] {strides = array<i32>} : memref<2x80x256xf32, #tpu.memory_space<vmem>>, vector<1x1x16xf32>,
        %get3A_196 = vector.shape_cast %get3A_195 : vector<1x1x16xf32> to vector<16xf32>
        %mul3A_197 = arith.mulf %get3A_190, %get3A_196 : vector<16xf32>
        %add3A_198 = arith.addf %add3A_184, %mul3A_197 : vector<16xf32>
        %get3A_199 = arith.constant 0 : i32
        %get3A_200 = arith.index_cast %get3A_199 : i32 to index
        %get3A_201 = arith.index_cast %scan3A_158 : i32 to index
        %get3A_202 = arith.constant 48 : index
        %get3A_203 = tpu.vector_load %arg9[%get3A_200, %get3A_201, %get3A_202] {strides = array<i32>} : memref<2x80x256xf32, #tpu.memory_space<vmem>>, vector<1x1x16xf32>,
        %get3A_204 = vector.shape_cast %get3A_203 : vector<1x1x16xf32> to vector<16xf32>
        %get3A_205 = arith.constant 0 : i32
        %get3A_206 = arith.index_cast %get3A_205 : i32 to index
        %get3A_207 = arith.index_cast %scan3A_158 : i32 to index
        %get3A_208 = arith.constant 48 : index
        %get3A_209 = tpu.vector_load %arg10[%get3A_206, %get3A_207, %get3A_208] {strides = array<i32>} : memref<2x80x256xf32, #tpu.memory_space<vmem>>, vector<1x1x16xf32>,
        %get3A_210 = vector.shape_cast %get3A_209 : vector<1x1x16xf32> to vector<16xf32>
        %mul3A_211 = arith.mulf %get3A_204, %get3A_210 : vector<16xf32>
        %add3A_212 = arith.addf %add3A_198, %mul3A_211 : vector<16xf32>
        %get3A_213 = arith.constant 0 : i32
        %get3A_214 = arith.index_cast %get3A_213 : i32 to index
        %get3A_215 = arith.index_cast %scan3A_158 : i32 to index
        %get3A_216 = arith.constant 64 : index
        %get3A_217 = tpu.vector_load %arg9[%get3A_214, %get3A_215, %get3A_216] {strides = array<i32>} : memref<2x80x256xf32, #tpu.memory_space<vmem>>, vector<1x1x16xf32>,
        %get3A_218 = vector.shape_cast %get3A_217 : vector<1x1x16xf32> to vector<16xf32>
        %get3A_219 = arith.constant 0 : i32
        %get3A_220 = arith.index_cast %get3A_219 : i32 to index
        %get3A_221 = arith.index_cast %scan3A_158 : i32 to index
        %get3A_222 = arith.constant 64 : index
        %get3A_223 = tpu.vector_load %arg10[%get3A_220, %get3A_221, %get3A_222] {strides = array<i32>} : memref<2x80x256xf32, #tpu.memory_space<vmem>>, vector<1x1x16xf32>,
        %get3A_224 = vector.shape_cast %get3A_223 : vector<1x1x16xf32> to vector<16xf32>
        %mul3A_225 = arith.mulf %get3A_218, %get3A_224 : vector<16xf32>
        %add3A_226 = arith.addf %add3A_212, %mul3A_225 : vector<16xf32>
        %get3A_227 = arith.constant 0 : i32
        %get3A_228 = arith.index_cast %get3A_227 : i32 to index
        %get3A_229 = arith.index_cast %scan3A_158 : i32 to index
        %get3A_230 = arith.constant 80 : index
        %get3A_231 = tpu.vector_load %arg9[%get3A_228, %get3A_229, %get3A_230] {strides = array<i32>} : memref<2x80x256xf32, #tpu.memory_space<vmem>>, vector<1x1x16xf32>,
        %get3A_232 = vector.shape_cast %get3A_231 : vector<1x1x16xf32> to vector<16xf32>
        %get3A_233 = arith.constant 0 : i32
        %get3A_234 = arith.index_cast %get3A_233 : i32 to index
        %get3A_235 = arith.index_cast %scan3A_158 : i32 to index
        %get3A_236 = arith.constant 80 : index
        %get3A_237 = tpu.vector_load %arg10[%get3A_234, %get3A_235, %get3A_236] {strides = array<i32>} : memref<2x80x256xf32, #tpu.memory_space<vmem>>, vector<1x1x16xf32>,
        %get3A_238 = vector.shape_cast %get3A_237 : vector<1x1x16xf32> to vector<16xf32>
        %mul3A_239 = arith.mulf %get3A_232, %get3A_238 : vector<16xf32>
        %add3A_240 = arith.addf %add3A_226, %mul3A_239 : vector<16xf32>
        %get3A_241 = arith.constant 0 : i32
        %get3A_242 = arith.index_cast %get3A_241 : i32 to index
        %get3A_243 = arith.index_cast %scan3A_158 : i32 to index
        %get3A_244 = arith.constant 96 : index
        %get3A_245 = tpu.vector_load %arg9[%get3A_242, %get3A_243, %get3A_244] {strides = array<i32>} : memref<2x80x256xf32, #tpu.memory_space<vmem>>, vector<1x1x16xf32>,
        %get3A_246 = vector.shape_cast %get3A_245 : vector<1x1x16xf32> to vector<16xf32>
        %get3A_247 = arith.constant 0 : i32
        %get3A_248 = arith.index_cast %get3A_247 : i32 to index
        %get3A_249 = arith.index_cast %scan3A_158 : i32 to index
        %get3A_250 = arith.constant 96 : index
        %get3A_251 = tpu.vector_load %arg10[%get3A_248, %get3A_249, %get3A_250] {strides = array<i32>} : memref<2x80x256xf32, #tpu.memory_space<vmem>>, vector<1x1x16xf32>,
        %get3A_252 = vector.shape_cast %get3A_251 : vector<1x1x16xf32> to vector<16xf32>
        %mul3A_253 = arith.mulf %get3A_246, %get3A_252 : vector<16xf32>
        %add3A_254 = arith.addf %add3A_240, %mul3A_253 : vector<16xf32>
        %get3A_255 = arith.constant 0 : i32
        %get3A_256 = arith.index_cast %get3A_255 : i32 to index
        %get3A_257 = arith.index_cast %scan3A_158 : i32 to index
        %get3A_258 = arith.constant 112 : index
        %get3A_259 = tpu.vector_load %arg9[%get3A_256, %get3A_257, %get3A_258] {strides = array<i32>} : memref<2x80x256xf32, #tpu.memory_space<vmem>>, vector<1x1x16xf32>,
        %get3A_260 = vector.shape_cast %get3A_259 : vector<1x1x16xf32> to vector<16xf32>
        %get3A_261 = arith.constant 0 : i32
        %get3A_262 = arith.index_cast %get3A_261 : i32 to index
        %get3A_263 = arith.index_cast %scan3A_158 : i32 to index
        %get3A_264 = arith.constant 112 : index
        %get3A_265 = tpu.vector_load %arg10[%get3A_262, %get3A_263, %get3A_264] {strides = array<i32>} : memref<2x80x256xf32, #tpu.memory_space<vmem>>, vector<1x1x16xf32>,
        %get3A_266 = vector.shape_cast %get3A_265 : vector<1x1x16xf32> to vector<16xf32>
        %mul3A_267 = arith.mulf %get3A_260, %get3A_266 : vector<16xf32>
        %add3A_268 = arith.addf %add3A_254, %mul3A_267 : vector<16xf32>
        %get3A_269 = arith.constant 0 : i32
        %get3A_270 = arith.index_cast %get3A_269 : i32 to index
        %get3A_271 = arith.index_cast %scan3A_158 : i32 to index
        %get3A_272 = arith.constant 128 : index
        %get3A_273 = tpu.vector_load %arg9[%get3A_270, %get3A_271, %get3A_272] {strides = array<i32>} : memref<2x80x256xf32, #tpu.memory_space<vmem>>, vector<1x1x16xf32>,
        %get3A_274 = vector.shape_cast %get3A_273 : vector<1x1x16xf32> to vector<16xf32>
        %get3A_275 = arith.constant 0 : i32
        %get3A_276 = arith.index_cast %get3A_275 : i32 to index
        %get3A_277 = arith.index_cast %scan3A_158 : i32 to index
        %get3A_278 = arith.constant 128 : index
        %get3A_279 = tpu.vector_load %arg10[%get3A_276, %get3A_277, %get3A_278] {strides = array<i32>} : memref<2x80x256xf32, #tpu.memory_space<vmem>>, vector<1x1x16xf32>,
        %get3A_280 = vector.shape_cast %get3A_279 : vector<1x1x16xf32> to vector<16xf32>
        %mul3A_281 = arith.mulf %get3A_274, %get3A_280 : vector<16xf32>
        %add3A_282 = arith.addf %add3A_268, %mul3A_281 : vector<16xf32>
        %get3A_283 = arith.constant 0 : i32
        %get3A_284 = arith.index_cast %get3A_283 : i32 to index
        %get3A_285 = arith.index_cast %scan3A_158 : i32 to index
        %get3A_286 = arith.constant 144 : index
        %get3A_287 = tpu.vector_load %arg9[%get3A_284, %get3A_285, %get3A_286] {strides = array<i32>} : memref<2x80x256xf32, #tpu.memory_space<vmem>>, vector<1x1x16xf32>,
        %get3A_288 = vector.shape_cast %get3A_287 : vector<1x1x16xf32> to vector<16xf32>
        %get3A_289 = arith.constant 0 : i32
        %get3A_290 = arith.index_cast %get3A_289 : i32 to index
        %get3A_291 = arith.index_cast %scan3A_158 : i32 to index
        %get3A_292 = arith.constant 144 : index
        %get3A_293 = tpu.vector_load %arg10[%get3A_290, %get3A_291, %get3A_292] {strides = array<i32>} : memref<2x80x256xf32, #tpu.memory_space<vmem>>, vector<1x1x16xf32>,
        %get3A_294 = vector.shape_cast %get3A_293 : vector<1x1x16xf32> to vector<16xf32>
        %mul3A_295 = arith.mulf %get3A_288, %get3A_294 : vector<16xf32>
        %add3A_296 = arith.addf %add3A_282, %mul3A_295 : vector<16xf32>
        %get3A_297 = arith.constant 0 : i32
        %get3A_298 = arith.index_cast %get3A_297 : i32 to index
        %get3A_299 = arith.index_cast %scan3A_158 : i32 to index
        %get3A_300 = arith.constant 160 : index
        %get3A_301 = tpu.vector_load %arg9[%get3A_298, %get3A_299, %get3A_300] {strides = array<i32>} : memref<2x80x256xf32, #tpu.memory_space<vmem>>, vector<1x1x16xf32>,
        %get3A_302 = vector.shape_cast %get3A_301 : vector<1x1x16xf32> to vector<16xf32>
        %get3A_303 = arith.constant 0 : i32
        %get3A_304 = arith.index_cast %get3A_303 : i32 to index
        %get3A_305 = arith.index_cast %scan3A_158 : i32 to index
        %get3A_306 = arith.constant 160 : index
        %get3A_307 = tpu.vector_load %arg10[%get3A_304, %get3A_305, %get3A_306] {strides = array<i32>} : memref<2x80x256xf32, #tpu.memory_space<vmem>>, vector<1x1x16xf32>,
        %get3A_308 = vector.shape_cast %get3A_307 : vector<1x1x16xf32> to vector<16xf32>
        %mul3A_309 = arith.mulf %get3A_302, %get3A_308 : vector<16xf32>
        %add3A_310 = arith.addf %add3A_296, %mul3A_309 : vector<16xf32>
        %get3A_311 = arith.constant 0 : i32
        %get3A_312 = arith.index_cast %get3A_311 : i32 to index
        %get3A_313 = arith.index_cast %scan3A_158 : i32 to index
        %get3A_314 = arith.constant 176 : index
        %get3A_315 = tpu.vector_load %arg9[%get3A_312, %get3A_313, %get3A_314] {strides = array<i32>} : memref<2x80x256xf32, #tpu.memory_space<vmem>>, vector<1x1x16xf32>,
        %get3A_316 = vector.shape_cast %get3A_315 : vector<1x1x16xf32> to vector<16xf32>
        %get3A_317 = arith.constant 0 : i32
        %get3A_318 = arith.index_cast %get3A_317 : i32 to index
        %get3A_319 = arith.index_cast %scan3A_158 : i32 to index
        %get3A_320 = arith.constant 176 : index
        %get3A_321 = tpu.vector_load %arg10[%get3A_318, %get3A_319, %get3A_320] {strides = array<i32>} : memref<2x80x256xf32, #tpu.memory_space<vmem>>, vector<1x1x16xf32>,
        %get3A_322 = vector.shape_cast %get3A_321 : vector<1x1x16xf32> to vector<16xf32>
        %mul3A_323 = arith.mulf %get3A_316, %get3A_322 : vector<16xf32>
        %add3A_324 = arith.addf %add3A_310, %mul3A_323 : vector<16xf32>
        %get3A_325 = arith.constant 0 : i32
        %get3A_326 = arith.index_cast %get3A_325 : i32 to index
        %get3A_327 = arith.index_cast %scan3A_158 : i32 to index
        %get3A_328 = arith.constant 192 : index
        %get3A_329 = tpu.vector_load %arg9[%get3A_326, %get3A_327, %get3A_328] {strides = array<i32>} : memref<2x80x256xf32, #tpu.memory_space<vmem>>, vector<1x1x16xf32>,
        %get3A_330 = vector.shape_cast %get3A_329 : vector<1x1x16xf32> to vector<16xf32>
        %get3A_331 = arith.constant 0 : i32
        %get3A_332 = arith.index_cast %get3A_331 : i32 to index
        %get3A_333 = arith.index_cast %scan3A_158 : i32 to index
        %get3A_334 = arith.constant 192 : index
        %get3A_335 = tpu.vector_load %arg10[%get3A_332, %get3A_333, %get3A_334] {strides = array<i32>} : memref<2x80x256xf32, #tpu.memory_space<vmem>>, vector<1x1x16xf32>,
        %get3A_336 = vector.shape_cast %get3A_335 : vector<1x1x16xf32> to vector<16xf32>
        %mul3A_337 = arith.mulf %get3A_330, %get3A_336 : vector<16xf32>
        %add3A_338 = arith.addf %add3A_324, %mul3A_337 : vector<16xf32>
        %get3A_339 = arith.constant 0 : i32
        %get3A_340 = arith.index_cast %get3A_339 : i32 to index
        %get3A_341 = arith.index_cast %scan3A_158 : i32 to index
        %get3A_342 = arith.constant 208 : index
        %get3A_343 = tpu.vector_load %arg9[%get3A_340, %get3A_341, %get3A_342] {strides = array<i32>} : memref<2x80x256xf32, #tpu.memory_space<vmem>>, vector<1x1x16xf32>,
        %get3A_344 = vector.shape_cast %get3A_343 : vector<1x1x16xf32> to vector<16xf32>
        %get3A_345 = arith.constant 0 : i32
        %get3A_346 = arith.index_cast %get3A_345 : i32 to index
        %get3A_347 = arith.index_cast %scan3A_158 : i32 to index
        %get3A_348 = arith.constant 208 : index
        %get3A_349 = tpu.vector_load %arg10[%get3A_346, %get3A_347, %get3A_348] {strides = array<i32>} : memref<2x80x256xf32, #tpu.memory_space<vmem>>, vector<1x1x16xf32>,
        %get3A_350 = vector.shape_cast %get3A_349 : vector<1x1x16xf32> to vector<16xf32>
        %mul3A_351 = arith.mulf %get3A_344, %get3A_350 : vector<16xf32>
        %add3A_352 = arith.addf %add3A_338, %mul3A_351 : vector<16xf32>
        %get3A_353 = arith.constant 0 : i32
        %get3A_354 = arith.index_cast %get3A_353 : i32 to index
        %get3A_355 = arith.index_cast %scan3A_158 : i32 to index
        %get3A_356 = arith.constant 224 : index
        %get3A_357 = tpu.vector_load %arg9[%get3A_354, %get3A_355, %get3A_356] {strides = array<i32>} : memref<2x80x256xf32, #tpu.memory_space<vmem>>, vector<1x1x16xf32>,
        %get3A_358 = vector.shape_cast %get3A_357 : vector<1x1x16xf32> to vector<16xf32>
        %get3A_359 = arith.constant 0 : i32
        %get3A_360 = arith.index_cast %get3A_359 : i32 to index
        %get3A_361 = arith.index_cast %scan3A_158 : i32 to index
        %get3A_362 = arith.constant 224 : index
        %get3A_363 = tpu.vector_load %arg10[%get3A_360, %get3A_361, %get3A_362] {strides = array<i32>} : memref<2x80x256xf32, #tpu.memory_space<vmem>>, vector<1x1x16xf32>,
        %get3A_364 = vector.shape_cast %get3A_363 : vector<1x1x16xf32> to vector<16xf32>
        %mul3A_365 = arith.mulf %get3A_358, %get3A_364 : vector<16xf32>
        %add3A_366 = arith.addf %add3A_352, %mul3A_365 : vector<16xf32>
        %get3A_367 = arith.constant 0 : i32
        %get3A_368 = arith.index_cast %get3A_367 : i32 to index
        %get3A_369 = arith.index_cast %scan3A_158 : i32 to index
        %get3A_370 = arith.constant 240 : index
        %get3A_371 = tpu.vector_load %arg9[%get3A_368, %get3A_369, %get3A_370] {strides = array<i32>} : memref<2x80x256xf32, #tpu.memory_space<vmem>>, vector<1x1x16xf32>,
        %get3A_372 = vector.shape_cast %get3A_371 : vector<1x1x16xf32> to vector<16xf32>
        %get3A_373 = arith.constant 0 : i32
        %get3A_374 = arith.index_cast %get3A_373 : i32 to index
        %get3A_375 = arith.index_cast %scan3A_158 : i32 to index
        %get3A_376 = arith.constant 240 : index
        %get3A_377 = tpu.vector_load %arg10[%get3A_374, %get3A_375, %get3A_376] {strides = array<i32>} : memref<2x80x256xf32, #tpu.memory_space<vmem>>, vector<1x1x16xf32>,
        %get3A_378 = vector.shape_cast %get3A_377 : vector<1x1x16xf32> to vector<16xf32>
        %mul3A_379 = arith.mulf %get3A_372, %get3A_378 : vector<16xf32>
        %add3A_380 = arith.addf %add3A_366, %mul3A_379 : vector<16xf32>
        %get3A_381 = arith.constant 0 : i32
        %get3A_382 = arith.index_cast %get3A_381 : i32 to index
        %get3A_383 = arith.index_cast %scan3A_158 : i32 to index
        %get3A_384 = arith.constant 0 : index
        %get3A_385 = tpu.vector_load %arg11[%get3A_382, %get3A_383, %get3A_384] {strides = array<i32>} : memref<2x80x16xf32, #tpu.memory_space<vmem>>, vector<1x1x16xf32>,
        %get3A_386 = vector.shape_cast %get3A_385 : vector<1x1x16xf32> to vector<16xf32>
        %add3A_387 = arith.addf %add3A_380, %get3A_386 : vector<16xf32>
        %mul3A_388 = arith.constant 2.000000e-01 : f32
        %mul3A_389 = vector.broadcast %mul3A_388 : f32 to vector<16xf32>
        %mul3A_390 = arith.mulf %add3A_387, %mul3A_389 : vector<16xf32>
        %max3A = arith.maximumf %add3A_387, %mul3A_390 : vector<16xf32>
        %exp3A = math.exp %max3A : vector<16xf32>
        %swap3A = arith.constant 0 : i32
        %swap3A_391 = arith.index_cast %swap3A : i32 to index
        %swap3A_392 = arith.index_cast %scan3A_158 : i32 to index
        %swap3A_393 = arith.constant 0 : index
        %swap3A_394 = tpu.vector_load %arg12[%swap3A_391, %swap3A_392, %swap3A_393] {strides = array<i32>} : memref<2x80x16xf32, #tpu.memory_space<vmem>>, vector<1x1x16xf32>,
        %swap3A_395 = vector.shape_cast %swap3A_394 : vector<1x1x16xf32> to vector<16xf32>
        %swap3A_396 = vector.shape_cast %exp3A : vector<16xf32> to vector<1x1x16xf32>
        tpu.vector_store %arg12[%swap3A_391, %swap3A_392, %swap3A_393], %swap3A_396 {strides = array<i32>} : memref<2x80x16xf32, #tpu.memory_space<vmem>>, vector<1x1x16xf32>,
      }
      %scan3A_139 = arith.constant 80 : i32
      %dma_start3A_140 = arith.constant 0 : i32
      %dma_start3A_141 = arith.constant 0 : i32
      %dma_start3A_142 = arith.constant 0 : i32
      %dma_start3A_143 = tpu.memref_slice %arg12[%dma_start3A_140, %dma_start3A_141, %dma_start3A_142] : memref<2x80x16xf32, #tpu.memory_space<vmem>> -> memref<1x80x16xf32, #tpu.memory_space<vmem>>
      %dma_start3A_144 = tpu.memref_squeeze %dma_start3A_143 : memref<1x80x16xf32, #tpu.memory_space<vmem>> -> memref<80x16xf32, #tpu.memory_space<vmem>>
      %dma_start3A_145 = arith.constant 0 : i32
      %dma_start3A_146 = tpu.memref_slice %arg8[%mul3A_123, %dma_start3A_145] : memref<125x80xi32, #tpu.memory_space<vmem>> -> memref<1x80xi32, #tpu.memory_space<vmem>>
      %dma_start3A_147 = tpu.memref_squeeze %dma_start3A_146 : memref<1x80xi32, #tpu.memory_space<vmem>> -> memref<80xi32, #tpu.memory_space<vmem>>
      %dma_start3A_148 = arith.constant 0 : i32
      %dma_start3A_149 = arith.constant 0 : i32
      %dma_start3A_150 = tpu.memref_slice %arg14[%dma_start3A_148, %dma_start3A_149] : memref<10000x16xf32, #tpu.memory_space<vmem_shared>> -> memref<10000x16xf32, #tpu.memory_space<vmem_shared>>
      tpu.enqueue_indirect_dma source(%dma_start3A_144 : memref<80x16xf32, #tpu.memory_space<vmem>>) target(%dma_start3A_150 : memref<10000x16xf32, #tpu.memory_space<vmem_shared>>) offsets(%dma_start3A_147 : memref<80xi32, #tpu.memory_space<vmem>>) semaphore(%arg17 : memref<!tpu.dma_semaphore, #tpu.memory_space<semaphore_mem>>) {add = true}
      %add3A_151 = arith.constant 1 : i32
      %add3A_152 = arith.addi %mul3A_123, %add3A_151 : i32
      %lt3A_153 = arith.constant 125 : i32
      %lt3A_154 = arith.cmpi slt, %add3A_152, %lt3A_153 : i32
      %convert_element_type3A_155 = arith.extui %lt3A_154 : i1 to i32
      %cond3A_156 = arith.constant 0 : i32
      %cond3A_157 = arith.cmpi ne, %convert_element_type3A_155, %cond3A_156 : i32
      scf.if %cond3A_157 {
        %dma_wait3A_158 = arith.constant 0 : i32
        %dma_wait3A_159 = arith.constant 1 : i32
        %dma_wait3A_160 = arith.constant 0 : i32
        %dma_wait3A_161 = arith.constant 0 : i32
        %dma_wait3A_162 = tpu.memref_slice %arg9[%dma_wait3A_159, %dma_wait3A_160, %dma_wait3A_161] : memref<2x80x256xf32, #tpu.memory_space<vmem>> -> memref<1x80x256xf32, #tpu.memory_space<vmem>>
        %dma_wait3A_163 = tpu.memref_squeeze %dma_wait3A_162 : memref<1x80x256xf32, #tpu.memory_space<vmem>> -> memref<80x256xf32, #tpu.memory_space<vmem>>
        %dma_wait3A_164 = arith.constant 0 : i32
        %dma_wait3A_165 = tpu.memref_slice %arg7[%dma_wait3A_158, %dma_wait3A_164] : memref<125x80xi32, #tpu.memory_space<vmem>> -> memref<1x80xi32, #tpu.memory_space<vmem>>
        %dma_wait3A_166 = tpu.memref_squeeze %dma_wait3A_165 : memref<1x80xi32, #tpu.memory_space<vmem>> -> memref<80xi32, #tpu.memory_space<vmem>>
        %dma_wait3A_167 = arith.constant 0 : i32
        %dma_wait3A_168 = arith.constant 0 : i32
        %dma_wait3A_169 = tpu.memref_slice %arg2[%dma_wait3A_167, %dma_wait3A_168] : memref<10000x256xf32, #tpu.memory_space<hbm>> -> memref<10000x256xf32, #tpu.memory_space<hbm>>
        tpu.wait_indirect_dma semaphore(%arg16 : memref<!tpu.dma_semaphore, #tpu.memory_space<semaphore_mem>>) src(%dma_wait3A_169 : memref<10000x256xf32, #tpu.memory_space<hbm>>) dst(%dma_wait3A_163 : memref<80x256xf32, #tpu.memory_space<vmem>>)
        %dma_wait3A_170 = arith.constant 0 : i32
        %dma_wait3A_171 = arith.constant 1 : i32
        %dma_wait3A_172 = arith.constant 0 : i32
        %dma_wait3A_173 = arith.constant 0 : i32
        %dma_wait3A_174 = tpu.memref_slice %arg10[%dma_wait3A_171, %dma_wait3A_172, %dma_wait3A_173] : memref<2x80x256xf32, #tpu.memory_space<vmem>> -> memref<1x80x256xf32, #tpu.memory_space<vmem>>
        %dma_wait3A_175 = tpu.memref_squeeze %dma_wait3A_174 : memref<1x80x256xf32, #tpu.memory_space<vmem>> -> memref<80x256xf32, #tpu.memory_space<vmem>>
        %dma_wait3A_176 = arith.constant 0 : i32
        %dma_wait3A_177 = tpu.memref_slice %arg8[%dma_wait3A_170, %dma_wait3A_176] : memref<125x80xi32, #tpu.memory_space<vmem>> -> memref<1x80xi32, #tpu.memory_space<vmem>>
        %dma_wait3A_178 = tpu.memref_squeeze %dma_wait3A_177 : memref<1x80xi32, #tpu.memory_space<vmem>> -> memref<80xi32, #tpu.memory_space<vmem>>
        %dma_wait3A_179 = arith.constant 0 : i32
        %dma_wait3A_180 = arith.constant 0 : i32
        %dma_wait3A_181 = tpu.memref_slice %arg2[%dma_wait3A_179, %dma_wait3A_180] : memref<10000x256xf32, #tpu.memory_space<hbm>> -> memref<10000x256xf32, #tpu.memory_space<hbm>>
        tpu.wait_indirect_dma semaphore(%arg16 : memref<!tpu.dma_semaphore, #tpu.memory_space<semaphore_mem>>) src(%dma_wait3A_181 : memref<10000x256xf32, #tpu.memory_space<hbm>>) dst(%dma_wait3A_175 : memref<80x256xf32, #tpu.memory_space<vmem>>)
        %dma_wait3A_182 = arith.constant 1 : i32
        %dma_wait3A_183 = arith.constant 0 : i32
        %dma_wait3A_184 = arith.constant 0 : i32
        %dma_wait3A_185 = tpu.memref_slice %arg11[%dma_wait3A_182, %dma_wait3A_183, %dma_wait3A_184] : memref<2x80x16xf32, #tpu.memory_space<vmem>> -> memref<1x80x16xf32, #tpu.memory_space<vmem>>
        %dma_wait3A_186 = tpu.memref_squeeze %dma_wait3A_185 : memref<1x80x16xf32, #tpu.memory_space<vmem>> -> memref<80x16xf32, #tpu.memory_space<vmem>>
        %dma_wait3A_187 = arith.constant 0 : i32
        %dma_wait3A_188 = tpu.memref_slice %arg3[%mul3A_13, %dma_wait3A_187] : memref<320000x16xf32, #tpu.memory_space<hbm>> -> memref<80x16xf32, #tpu.memory_space<hbm>>
        %dma_wait3A_189 = arith.constant 0 : i32
        %dma_wait3A_190 = arith.constant 0 : i32
        %dma_wait3A_191 = tpu.memref_slice %arg11[%dma_wait3A_182, %dma_wait3A_189, %dma_wait3A_190] : memref<2x80x16xf32, #tpu.memory_space<vmem>> -> memref<1x80x16xf32, #tpu.memory_space<vmem>>
        %dma_wait3A_192 = tpu.memref_squeeze %dma_wait3A_191 : memref<1x80x16xf32, #tpu.memory_space<vmem>> -> memref<80x16xf32, #tpu.memory_space<vmem>>
        %dma_wait3A_193 = arith.constant 0 : i32
        %dma_wait3A_194 = tpu.memref_slice %arg3[%mul3A_13, %dma_wait3A_193] : memref<320000x16xf32, #tpu.memory_space<hbm>> -> memref<80x16xf32, #tpu.memory_space<hbm>>
        tpu.wait_dma2 semaphore(%arg16 : memref<!tpu.dma_semaphore, #tpu.memory_space<semaphore_mem>>) src(%dma_wait3A_194 : memref<80x16xf32, #tpu.memory_space<hbm>>) dst(%dma_wait3A_192 : memref<80x16xf32, #tpu.memory_space<vmem>>)
        %add3A_195 = arith.constant 2 : i32
        %add3A_196 = arith.addi %mul3A_123, %add3A_195 : i32
        %lt3A_197 = arith.constant 125 : i32
        %lt3A_198 = arith.cmpi slt, %add3A_196, %lt3A_197 : i32
        %convert_element_type3A_199 = arith.extui %lt3A_198 : i1 to i32
        %cond3A_200 = arith.constant 0 : i32
        %cond3A_201 = arith.cmpi ne, %convert_element_type3A_199, %cond3A_200 : i32
        scf.if %cond3A_201 {
          %add3A_233 = arith.constant 2 : i32
          %add3A_234 = arith.addi %mul3A_123, %add3A_233 : i32
          %dma_start3A_235 = arith.constant 0 : i32
          %dma_start3A_236 = arith.constant 0 : i32
          %dma_start3A_237 = arith.constant 0 : i32
          %dma_start3A_238 = tpu.memref_slice %arg9[%dma_start3A_235, %dma_start3A_236, %dma_start3A_237] : memref<2x80x256xf32, #tpu.memory_space<vmem>> -> memref<1x80x256xf32, #tpu.memory_space<vmem>>
          %dma_start3A_239 = tpu.memref_squeeze %dma_start3A_238 : memref<1x80x256xf32, #tpu.memory_space<vmem>> -> memref<80x256xf32, #tpu.memory_space<vmem>>
          %dma_start3A_240 = arith.constant 0 : i32
          %dma_start3A_241 = tpu.memref_slice %arg7[%add3A_234, %dma_start3A_240] : memref<125x80xi32, #tpu.memory_space<vmem>> -> memref<1x80xi32, #tpu.memory_space<vmem>>
          %dma_start3A_242 = tpu.memref_squeeze %dma_start3A_241 : memref<1x80xi32, #tpu.memory_space<vmem>> -> memref<80xi32, #tpu.memory_space<vmem>>
          %dma_start3A_243 = arith.constant 0 : i32
          %dma_start3A_244 = arith.constant 0 : i32
          %dma_start3A_245 = tpu.memref_slice %arg2[%dma_start3A_243, %dma_start3A_244] : memref<10000x256xf32, #tpu.memory_space<hbm>> -> memref<10000x256xf32, #tpu.memory_space<hbm>>
          tpu.enqueue_indirect_dma source(%dma_start3A_245 : memref<10000x256xf32, #tpu.memory_space<hbm>>) target(%dma_start3A_239 : memref<80x256xf32, #tpu.memory_space<vmem>>) offsets(%dma_start3A_242 : memref<80xi32, #tpu.memory_space<vmem>>) semaphore(%arg15 : memref<!tpu.dma_semaphore, #tpu.memory_space<semaphore_mem>>)
          %dma_start3A_246 = arith.constant 0 : i32
          %dma_start3A_247 = arith.constant 0 : i32
          %dma_start3A_248 = arith.constant 0 : i32
          %dma_start3A_249 = tpu.memref_slice %arg10[%dma_start3A_246, %dma_start3A_247, %dma_start3A_248] : memref<2x80x256xf32, #tpu.memory_space<vmem>> -> memref<1x80x256xf32, #tpu.memory_space<vmem>>
          %dma_start3A_250 = tpu.memref_squeeze %dma_start3A_249 : memref<1x80x256xf32, #tpu.memory_space<vmem>> -> memref<80x256xf32, #tpu.memory_space<vmem>>
          %dma_start3A_251 = arith.constant 0 : i32
          %dma_start3A_252 = tpu.memref_slice %arg8[%add3A_234, %dma_start3A_251] : memref<125x80xi32, #tpu.memory_space<vmem>> -> memref<1x80xi32, #tpu.memory_space<vmem>>
          %dma_start3A_253 = tpu.memref_squeeze %dma_start3A_252 : memref<1x80xi32, #tpu.memory_space<vmem>> -> memref<80xi32, #tpu.memory_space<vmem>>
          %dma_start3A_254 = arith.constant 0 : i32
          %dma_start3A_255 = arith.constant 0 : i32
          %dma_start3A_256 = tpu.memref_slice %arg2[%dma_start3A_254, %dma_start3A_255] : memref<10000x256xf32, #tpu.memory_space<hbm>> -> memref<10000x256xf32, #tpu.memory_space<hbm>>
          tpu.enqueue_indirect_dma source(%dma_start3A_256 : memref<10000x256xf32, #tpu.memory_space<hbm>>) target(%dma_start3A_250 : memref<80x256xf32, #tpu.memory_space<vmem>>) offsets(%dma_start3A_253 : memref<80xi32, #tpu.memory_space<vmem>>) semaphore(%arg15 : memref<!tpu.dma_semaphore, #tpu.memory_space<semaphore_mem>>)
          %mul3A_257 = arith.constant 80 : i32
          %mul3A_258 = arith.muli %add3A_234, %mul3A_257 : i32
          %add3A_259 = arith.addi %mul3A_13, %mul3A_258 : i32
          %dma_start3A_260 = arith.constant 0 : i32
          %dma_start3A_261 = arith.constant 0 : i32
          %dma_start3A_262 = arith.constant 0 : i32
          %dma_start3A_263 = tpu.memref_slice %arg11[%dma_start3A_260, %dma_start3A_261, %dma_start3A_262] : memref<2x80x16xf32, #tpu.memory_space<vmem>> -> memref<1x80x16xf32, #tpu.memory_space<vmem>>
          %dma_start3A_264 = tpu.memref_squeeze %dma_start3A_263 : memref<1x80x16xf32, #tpu.memory_space<vmem>> -> memref<80x16xf32, #tpu.memory_space<vmem>>
          %dma_start3A_265 = arith.constant 0 : i32
          %dma_start3A_266 = tpu.memref_slice %arg3[%add3A_259, %dma_start3A_265] : memref<320000x16xf32, #tpu.memory_space<hbm>> -> memref<80x16xf32, #tpu.memory_space<hbm>>
          %dma_start3A_267 = arith.constant 0 : i32
          %dma_start3A_268 = arith.constant 0 : i32
          %dma_start3A_269 = tpu.memref_slice %arg11[%dma_start3A_260, %dma_start3A_267, %dma_start3A_268] : memref<2x80x16xf32, #tpu.memory_space<vmem>> -> memref<1x80x16xf32, #tpu.memory_space<vmem>>
          %dma_start3A_270 = tpu.memref_squeeze %dma_start3A_269 : memref<1x80x16xf32, #tpu.memory_space<vmem>> -> memref<80x16xf32, #tpu.memory_space<vmem>>
          %dma_start3A_271 = arith.constant 0 : i32
          %dma_start3A_272 = tpu.memref_slice %arg3[%add3A_259, %dma_start3A_271] : memref<320000x16xf32, #tpu.memory_space<hbm>> -> memref<80x16xf32, #tpu.memory_space<hbm>>
          tpu.enqueue_dma source(%dma_start3A_272 : memref<80x16xf32, #tpu.memory_space<hbm>>) target(%dma_start3A_270 : memref<80x16xf32, #tpu.memory_space<vmem>>) target_semaphore(%arg15 : memref<!tpu.dma_semaphore, #tpu.memory_space<semaphore_mem>>)
        } else {
        }
        %add3A_202 = arith.constant 1 : i32
        %add3A_203 = arith.addi %mul3A_123, %add3A_202 : i32
        %ge3A_204 = arith.constant 2 : i32
        %ge3A_205 = arith.cmpi sge, %add3A_203, %ge3A_204 : i32
        %convert_element_type3A_206 = arith.extui %ge3A_205 : i1 to i32
        %cond3A_207 = arith.constant 0 : i32
        %cond3A_208 = arith.cmpi ne, %convert_element_type3A_206, %cond3A_207 : i32
        scf.if %cond3A_208 {
          %dma_wait3A_233 = arith.constant 1 : i32
          %dma_wait3A_234 = arith.constant 0 : i32
          %dma_wait3A_235 = arith.constant 0 : i32
          %dma_wait3A_236 = arith.constant 0 : i32
          %dma_wait3A_237 = tpu.memref_slice %arg12[%dma_wait3A_233, %dma_wait3A_235, %dma_wait3A_236] : memref<2x80x16xf32, #tpu.memory_space<vmem>> -> memref<1x80x16xf32, #tpu.memory_space<vmem>>
          %dma_wait3A_238 = tpu.memref_squeeze %dma_wait3A_237 : memref<1x80x16xf32, #tpu.memory_space<vmem>> -> memref<80x16xf32, #tpu.memory_space<vmem>>
          %dma_wait3A_239 = arith.constant 0 : i32
          %dma_wait3A_240 = tpu.memref_slice %arg8[%dma_wait3A_234, %dma_wait3A_239] : memref<125x80xi32, #tpu.memory_space<vmem>> -> memref<1x80xi32, #tpu.memory_space<vmem>>
          %dma_wait3A_241 = tpu.memref_squeeze %dma_wait3A_240 : memref<1x80xi32, #tpu.memory_space<vmem>> -> memref<80xi32, #tpu.memory_space<vmem>>
          %dma_wait3A_242 = arith.constant 0 : i32
          %dma_wait3A_243 = arith.constant 0 : i32
          %dma_wait3A_244 = tpu.memref_slice %arg14[%dma_wait3A_242, %dma_wait3A_243] : memref<10000x16xf32, #tpu.memory_space<vmem_shared>> -> memref<10000x16xf32, #tpu.memory_space<vmem_shared>>
          tpu.wait_indirect_dma semaphore(%arg18 : memref<!tpu.dma_semaphore, #tpu.memory_space<semaphore_mem>>) src(%dma_wait3A_238 : memref<80x16xf32, #tpu.memory_space<vmem>>) dst(%dma_wait3A_244 : memref<10000x16xf32, #tpu.memory_space<vmem_shared>>)
        } else {
        }
        %scan3A_209 = arith.constant 0 : i32
        %scan3A_210 = arith.constant 0 : i32
        %scan3A_211 = arith.constant 80 : i32
        %scan3A_212 = arith.addi %scan3A_210, %scan3A_211 : i32
        %scan3A_213 = arith.constant 1 : i32
        scf.for %scan3A_233 = %scan3A_210 to %scan3A_212 step %scan3A_213  : i32 {
          %get3A = arith.constant 1 : i32
          %get3A_234 = arith.index_cast %get3A : i32 to index
          %get3A_235 = arith.index_cast %scan3A_233 : i32 to index
          %get3A_236 = arith.constant 0 : index
          %get3A_237 = tpu.vector_load %arg9[%get3A_234, %get3A_235, %get3A_236] {strides = array<i32>} : memref<2x80x256xf32, #tpu.memory_space<vmem>>, vector<1x1x16xf32>,
          %get3A_238 = vector.shape_cast %get3A_237 : vector<1x1x16xf32> to vector<16xf32>
          %get3A_239 = arith.constant 1 : i32
          %get3A_240 = arith.index_cast %get3A_239 : i32 to index
          %get3A_241 = arith.index_cast %scan3A_233 : i32 to index
          %get3A_242 = arith.constant 0 : index
          %get3A_243 = tpu.vector_load %arg10[%get3A_240, %get3A_241, %get3A_242] {strides = array<i32>} : memref<2x80x256xf32, #tpu.memory_space<vmem>>, vector<1x1x16xf32>,
          %get3A_244 = vector.shape_cast %get3A_243 : vector<1x1x16xf32> to vector<16xf32>
          %mul3A_245 = arith.mulf %get3A_238, %get3A_244 : vector<16xf32>
          %get3A_246 = arith.constant 1 : i32
          %get3A_247 = arith.index_cast %get3A_246 : i32 to index
          %get3A_248 = arith.index_cast %scan3A_233 : i32 to index
          %get3A_249 = arith.constant 16 : index
          %get3A_250 = tpu.vector_load %arg9[%get3A_247, %get3A_248, %get3A_249] {strides = array<i32>} : memref<2x80x256xf32, #tpu.memory_space<vmem>>, vector<1x1x16xf32>,
          %get3A_251 = vector.shape_cast %get3A_250 : vector<1x1x16xf32> to vector<16xf32>
          %get3A_252 = arith.constant 1 : i32
          %get3A_253 = arith.index_cast %get3A_252 : i32 to index
          %get3A_254 = arith.index_cast %scan3A_233 : i32 to index
          %get3A_255 = arith.constant 16 : index
          %get3A_256 = tpu.vector_load %arg10[%get3A_253, %get3A_254, %get3A_255] {strides = array<i32>} : memref<2x80x256xf32, #tpu.memory_space<vmem>>, vector<1x1x16xf32>,
          %get3A_257 = vector.shape_cast %get3A_256 : vector<1x1x16xf32> to vector<16xf32>
          %mul3A_258 = arith.mulf %get3A_251, %get3A_257 : vector<16xf32>
          %add3A_259 = arith.addf %mul3A_245, %mul3A_258 : vector<16xf32>
          %get3A_260 = arith.constant 1 : i32
          %get3A_261 = arith.index_cast %get3A_260 : i32 to index
          %get3A_262 = arith.index_cast %scan3A_233 : i32 to index
          %get3A_263 = arith.constant 32 : index
          %get3A_264 = tpu.vector_load %arg9[%get3A_261, %get3A_262, %get3A_263] {strides = array<i32>} : memref<2x80x256xf32, #tpu.memory_space<vmem>>, vector<1x1x16xf32>,
          %get3A_265 = vector.shape_cast %get3A_264 : vector<1x1x16xf32> to vector<16xf32>
          %get3A_266 = arith.constant 1 : i32
          %get3A_267 = arith.index_cast %get3A_266 : i32 to index
          %get3A_268 = arith.index_cast %scan3A_233 : i32 to index
          %get3A_269 = arith.constant 32 : index
          %get3A_270 = tpu.vector_load %arg10[%get3A_267, %get3A_268, %get3A_269] {strides = array<i32>} : memref<2x80x256xf32, #tpu.memory_space<vmem>>, vector<1x1x16xf32>,
          %get3A_271 = vector.shape_cast %get3A_270 : vector<1x1x16xf32> to vector<16xf32>
          %mul3A_272 = arith.mulf %get3A_265, %get3A_271 : vector<16xf32>
          %add3A_273 = arith.addf %add3A_259, %mul3A_272 : vector<16xf32>
          %get3A_274 = arith.constant 1 : i32
          %get3A_275 = arith.index_cast %get3A_274 : i32 to index
          %get3A_276 = arith.index_cast %scan3A_233 : i32 to index
          %get3A_277 = arith.constant 48 : index
          %get3A_278 = tpu.vector_load %arg9[%get3A_275, %get3A_276, %get3A_277] {strides = array<i32>} : memref<2x80x256xf32, #tpu.memory_space<vmem>>, vector<1x1x16xf32>,
          %get3A_279 = vector.shape_cast %get3A_278 : vector<1x1x16xf32> to vector<16xf32>
          %get3A_280 = arith.constant 1 : i32
          %get3A_281 = arith.index_cast %get3A_280 : i32 to index
          %get3A_282 = arith.index_cast %scan3A_233 : i32 to index
          %get3A_283 = arith.constant 48 : index
          %get3A_284 = tpu.vector_load %arg10[%get3A_281, %get3A_282, %get3A_283] {strides = array<i32>} : memref<2x80x256xf32, #tpu.memory_space<vmem>>, vector<1x1x16xf32>,
          %get3A_285 = vector.shape_cast %get3A_284 : vector<1x1x16xf32> to vector<16xf32>
          %mul3A_286 = arith.mulf %get3A_279, %get3A_285 : vector<16xf32>
          %add3A_287 = arith.addf %add3A_273, %mul3A_286 : vector<16xf32>
          %get3A_288 = arith.constant 1 : i32
          %get3A_289 = arith.index_cast %get3A_288 : i32 to index
          %get3A_290 = arith.index_cast %scan3A_233 : i32 to index
          %get3A_291 = arith.constant 64 : index
          %get3A_292 = tpu.vector_load %arg9[%get3A_289, %get3A_290, %get3A_291] {strides = array<i32>} : memref<2x80x256xf32, #tpu.memory_space<vmem>>, vector<1x1x16xf32>,
          %get3A_293 = vector.shape_cast %get3A_292 : vector<1x1x16xf32> to vector<16xf32>
          %get3A_294 = arith.constant 1 : i32
          %get3A_295 = arith.index_cast %get3A_294 : i32 to index
          %get3A_296 = arith.index_cast %scan3A_233 : i32 to index
          %get3A_297 = arith.constant 64 : index
          %get3A_298 = tpu.vector_load %arg10[%get3A_295, %get3A_296, %get3A_297] {strides = array<i32>} : memref<2x80x256xf32, #tpu.memory_space<vmem>>, vector<1x1x16xf32>,
          %get3A_299 = vector.shape_cast %get3A_298 : vector<1x1x16xf32> to vector<16xf32>
          %mul3A_300 = arith.mulf %get3A_293, %get3A_299 : vector<16xf32>
          %add3A_301 = arith.addf %add3A_287, %mul3A_300 : vector<16xf32>
          %get3A_302 = arith.constant 1 : i32
          %get3A_303 = arith.index_cast %get3A_302 : i32 to index
          %get3A_304 = arith.index_cast %scan3A_233 : i32 to index
          %get3A_305 = arith.constant 80 : index
          %get3A_306 = tpu.vector_load %arg9[%get3A_303, %get3A_304, %get3A_305] {strides = array<i32>} : memref<2x80x256xf32, #tpu.memory_space<vmem>>, vector<1x1x16xf32>,
          %get3A_307 = vector.shape_cast %get3A_306 : vector<1x1x16xf32> to vector<16xf32>
          %get3A_308 = arith.constant 1 : i32
          %get3A_309 = arith.index_cast %get3A_308 : i32 to index
          %get3A_310 = arith.index_cast %scan3A_233 : i32 to index
          %get3A_311 = arith.constant 80 : index
          %get3A_312 = tpu.vector_load %arg10[%get3A_309, %get3A_310, %get3A_311] {strides = array<i32>} : memref<2x80x256xf32, #tpu.memory_space<vmem>>, vector<1x1x16xf32>,
          %get3A_313 = vector.shape_cast %get3A_312 : vector<1x1x16xf32> to vector<16xf32>
          %mul3A_314 = arith.mulf %get3A_307, %get3A_313 : vector<16xf32>
          %add3A_315 = arith.addf %add3A_301, %mul3A_314 : vector<16xf32>
          %get3A_316 = arith.constant 1 : i32
          %get3A_317 = arith.index_cast %get3A_316 : i32 to index
          %get3A_318 = arith.index_cast %scan3A_233 : i32 to index
          %get3A_319 = arith.constant 96 : index
          %get3A_320 = tpu.vector_load %arg9[%get3A_317, %get3A_318, %get3A_319] {strides = array<i32>} : memref<2x80x256xf32, #tpu.memory_space<vmem>>, vector<1x1x16xf32>,
          %get3A_321 = vector.shape_cast %get3A_320 : vector<1x1x16xf32> to vector<16xf32>
          %get3A_322 = arith.constant 1 : i32
          %get3A_323 = arith.index_cast %get3A_322 : i32 to index
          %get3A_324 = arith.index_cast %scan3A_233 : i32 to index
          %get3A_325 = arith.constant 96 : index
          %get3A_326 = tpu.vector_load %arg10[%get3A_323, %get3A_324, %get3A_325] {strides = array<i32>} : memref<2x80x256xf32, #tpu.memory_space<vmem>>, vector<1x1x16xf32>,
          %get3A_327 = vector.shape_cast %get3A_326 : vector<1x1x16xf32> to vector<16xf32>
          %mul3A_328 = arith.mulf %get3A_321, %get3A_327 : vector<16xf32>
          %add3A_329 = arith.addf %add3A_315, %mul3A_328 : vector<16xf32>
          %get3A_330 = arith.constant 1 : i32
          %get3A_331 = arith.index_cast %get3A_330 : i32 to index
          %get3A_332 = arith.index_cast %scan3A_233 : i32 to index
          %get3A_333 = arith.constant 112 : index
          %get3A_334 = tpu.vector_load %arg9[%get3A_331, %get3A_332, %get3A_333] {strides = array<i32>} : memref<2x80x256xf32, #tpu.memory_space<vmem>>, vector<1x1x16xf32>,
          %get3A_335 = vector.shape_cast %get3A_334 : vector<1x1x16xf32> to vector<16xf32>
          %get3A_336 = arith.constant 1 : i32
          %get3A_337 = arith.index_cast %get3A_336 : i32 to index
          %get3A_338 = arith.index_cast %scan3A_233 : i32 to index
          %get3A_339 = arith.constant 112 : index
          %get3A_340 = tpu.vector_load %arg10[%get3A_337, %get3A_338, %get3A_339] {strides = array<i32>} : memref<2x80x256xf32, #tpu.memory_space<vmem>>, vector<1x1x16xf32>,
          %get3A_341 = vector.shape_cast %get3A_340 : vector<1x1x16xf32> to vector<16xf32>
          %mul3A_342 = arith.mulf %get3A_335, %get3A_341 : vector<16xf32>
          %add3A_343 = arith.addf %add3A_329, %mul3A_342 : vector<16xf32>
          %get3A_344 = arith.constant 1 : i32
          %get3A_345 = arith.index_cast %get3A_344 : i32 to index
          %get3A_346 = arith.index_cast %scan3A_233 : i32 to index
          %get3A_347 = arith.constant 128 : index
          %get3A_348 = tpu.vector_load %arg9[%get3A_345, %get3A_346, %get3A_347] {strides = array<i32>} : memref<2x80x256xf32, #tpu.memory_space<vmem>>, vector<1x1x16xf32>,
          %get3A_349 = vector.shape_cast %get3A_348 : vector<1x1x16xf32> to vector<16xf32>
          %get3A_350 = arith.constant 1 : i32
          %get3A_351 = arith.index_cast %get3A_350 : i32 to index
          %get3A_352 = arith.index_cast %scan3A_233 : i32 to index
          %get3A_353 = arith.constant 128 : index
          %get3A_354 = tpu.vector_load %arg10[%get3A_351, %get3A_352, %get3A_353] {strides = array<i32>} : memref<2x80x256xf32, #tpu.memory_space<vmem>>, vector<1x1x16xf32>,
          %get3A_355 = vector.shape_cast %get3A_354 : vector<1x1x16xf32> to vector<16xf32>
          %mul3A_356 = arith.mulf %get3A_349, %get3A_355 : vector<16xf32>
          %add3A_357 = arith.addf %add3A_343, %mul3A_356 : vector<16xf32>
          %get3A_358 = arith.constant 1 : i32
          %get3A_359 = arith.index_cast %get3A_358 : i32 to index
          %get3A_360 = arith.index_cast %scan3A_233 : i32 to index
          %get3A_361 = arith.constant 144 : index
          %get3A_362 = tpu.vector_load %arg9[%get3A_359, %get3A_360, %get3A_361] {strides = array<i32>} : memref<2x80x256xf32, #tpu.memory_space<vmem>>, vector<1x1x16xf32>,
          %get3A_363 = vector.shape_cast %get3A_362 : vector<1x1x16xf32> to vector<16xf32>
          %get3A_364 = arith.constant 1 : i32
          %get3A_365 = arith.index_cast %get3A_364 : i32 to index
          %get3A_366 = arith.index_cast %scan3A_233 : i32 to index
          %get3A_367 = arith.constant 144 : index
          %get3A_368 = tpu.vector_load %arg10[%get3A_365, %get3A_366, %get3A_367] {strides = array<i32>} : memref<2x80x256xf32, #tpu.memory_space<vmem>>, vector<1x1x16xf32>,
          %get3A_369 = vector.shape_cast %get3A_368 : vector<1x1x16xf32> to vector<16xf32>
          %mul3A_370 = arith.mulf %get3A_363, %get3A_369 : vector<16xf32>
          %add3A_371 = arith.addf %add3A_357, %mul3A_370 : vector<16xf32>
          %get3A_372 = arith.constant 1 : i32
          %get3A_373 = arith.index_cast %get3A_372 : i32 to index
          %get3A_374 = arith.index_cast %scan3A_233 : i32 to index
          %get3A_375 = arith.constant 160 : index
          %get3A_376 = tpu.vector_load %arg9[%get3A_373, %get3A_374, %get3A_375] {strides = array<i32>} : memref<2x80x256xf32, #tpu.memory_space<vmem>>, vector<1x1x16xf32>,
          %get3A_377 = vector.shape_cast %get3A_376 : vector<1x1x16xf32> to vector<16xf32>
          %get3A_378 = arith.constant 1 : i32
          %get3A_379 = arith.index_cast %get3A_378 : i32 to index
          %get3A_380 = arith.index_cast %scan3A_233 : i32 to index
          %get3A_381 = arith.constant 160 : index
          %get3A_382 = tpu.vector_load %arg10[%get3A_379, %get3A_380, %get3A_381] {strides = array<i32>} : memref<2x80x256xf32, #tpu.memory_space<vmem>>, vector<1x1x16xf32>,
          %get3A_383 = vector.shape_cast %get3A_382 : vector<1x1x16xf32> to vector<16xf32>
          %mul3A_384 = arith.mulf %get3A_377, %get3A_383 : vector<16xf32>
          %add3A_385 = arith.addf %add3A_371, %mul3A_384 : vector<16xf32>
          %get3A_386 = arith.constant 1 : i32
          %get3A_387 = arith.index_cast %get3A_386 : i32 to index
          %get3A_388 = arith.index_cast %scan3A_233 : i32 to index
          %get3A_389 = arith.constant 176 : index
          %get3A_390 = tpu.vector_load %arg9[%get3A_387, %get3A_388, %get3A_389] {strides = array<i32>} : memref<2x80x256xf32, #tpu.memory_space<vmem>>, vector<1x1x16xf32>,
          %get3A_391 = vector.shape_cast %get3A_390 : vector<1x1x16xf32> to vector<16xf32>
          %get3A_392 = arith.constant 1 : i32
          %get3A_393 = arith.index_cast %get3A_392 : i32 to index
          %get3A_394 = arith.index_cast %scan3A_233 : i32 to index
          %get3A_395 = arith.constant 176 : index
          %get3A_396 = tpu.vector_load %arg10[%get3A_393, %get3A_394, %get3A_395] {strides = array<i32>} : memref<2x80x256xf32, #tpu.memory_space<vmem>>, vector<1x1x16xf32>,
          %get3A_397 = vector.shape_cast %get3A_396 : vector<1x1x16xf32> to vector<16xf32>
          %mul3A_398 = arith.mulf %get3A_391, %get3A_397 : vector<16xf32>
          %add3A_399 = arith.addf %add3A_385, %mul3A_398 : vector<16xf32>
          %get3A_400 = arith.constant 1 : i32
          %get3A_401 = arith.index_cast %get3A_400 : i32 to index
          %get3A_402 = arith.index_cast %scan3A_233 : i32 to index
          %get3A_403 = arith.constant 192 : index
          %get3A_404 = tpu.vector_load %arg9[%get3A_401, %get3A_402, %get3A_403] {strides = array<i32>} : memref<2x80x256xf32, #tpu.memory_space<vmem>>, vector<1x1x16xf32>,
          %get3A_405 = vector.shape_cast %get3A_404 : vector<1x1x16xf32> to vector<16xf32>
          %get3A_406 = arith.constant 1 : i32
          %get3A_407 = arith.index_cast %get3A_406 : i32 to index
          %get3A_408 = arith.index_cast %scan3A_233 : i32 to index
          %get3A_409 = arith.constant 192 : index
          %get3A_410 = tpu.vector_load %arg10[%get3A_407, %get3A_408, %get3A_409] {strides = array<i32>} : memref<2x80x256xf32, #tpu.memory_space<vmem>>, vector<1x1x16xf32>,
          %get3A_411 = vector.shape_cast %get3A_410 : vector<1x1x16xf32> to vector<16xf32>
          %mul3A_412 = arith.mulf %get3A_405, %get3A_411 : vector<16xf32>
          %add3A_413 = arith.addf %add3A_399, %mul3A_412 : vector<16xf32>
          %get3A_414 = arith.constant 1 : i32
          %get3A_415 = arith.index_cast %get3A_414 : i32 to index
          %get3A_416 = arith.index_cast %scan3A_233 : i32 to index
          %get3A_417 = arith.constant 208 : index
          %get3A_418 = tpu.vector_load %arg9[%get3A_415, %get3A_416, %get3A_417] {strides = array<i32>} : memref<2x80x256xf32, #tpu.memory_space<vmem>>, vector<1x1x16xf32>,
          %get3A_419 = vector.shape_cast %get3A_418 : vector<1x1x16xf32> to vector<16xf32>
          %get3A_420 = arith.constant 1 : i32
          %get3A_421 = arith.index_cast %get3A_420 : i32 to index
          %get3A_422 = arith.index_cast %scan3A_233 : i32 to index
          %get3A_423 = arith.constant 208 : index
          %get3A_424 = tpu.vector_load %arg10[%get3A_421, %get3A_422, %get3A_423] {strides = array<i32>} : memref<2x80x256xf32, #tpu.memory_space<vmem>>, vector<1x1x16xf32>,
          %get3A_425 = vector.shape_cast %get3A_424 : vector<1x1x16xf32> to vector<16xf32>
          %mul3A_426 = arith.mulf %get3A_419, %get3A_425 : vector<16xf32>
          %add3A_427 = arith.addf %add3A_413, %mul3A_426 : vector<16xf32>
          %get3A_428 = arith.constant 1 : i32
          %get3A_429 = arith.index_cast %get3A_428 : i32 to index
          %get3A_430 = arith.index_cast %scan3A_233 : i32 to index
          %get3A_431 = arith.constant 224 : index
          %get3A_432 = tpu.vector_load %arg9[%get3A_429, %get3A_430, %get3A_431] {strides = array<i32>} : memref<2x80x256xf32, #tpu.memory_space<vmem>>, vector<1x1x16xf32>,
          %get3A_433 = vector.shape_cast %get3A_432 : vector<1x1x16xf32> to vector<16xf32>
          %get3A_434 = arith.constant 1 : i32
          %get3A_435 = arith.index_cast %get3A_434 : i32 to index
          %get3A_436 = arith.index_cast %scan3A_233 : i32 to index
          %get3A_437 = arith.constant 224 : index
          %get3A_438 = tpu.vector_load %arg10[%get3A_435, %get3A_436, %get3A_437] {strides = array<i32>} : memref<2x80x256xf32, #tpu.memory_space<vmem>>, vector<1x1x16xf32>,
          %get3A_439 = vector.shape_cast %get3A_438 : vector<1x1x16xf32> to vector<16xf32>
          %mul3A_440 = arith.mulf %get3A_433, %get3A_439 : vector<16xf32>
          %add3A_441 = arith.addf %add3A_427, %mul3A_440 : vector<16xf32>
          %get3A_442 = arith.constant 1 : i32
          %get3A_443 = arith.index_cast %get3A_442 : i32 to index
          %get3A_444 = arith.index_cast %scan3A_233 : i32 to index
          %get3A_445 = arith.constant 240 : index
          %get3A_446 = tpu.vector_load %arg9[%get3A_443, %get3A_444, %get3A_445] {strides = array<i32>} : memref<2x80x256xf32, #tpu.memory_space<vmem>>, vector<1x1x16xf32>,
          %get3A_447 = vector.shape_cast %get3A_446 : vector<1x1x16xf32> to vector<16xf32>
          %get3A_448 = arith.constant 1 : i32
          %get3A_449 = arith.index_cast %get3A_448 : i32 to index
          %get3A_450 = arith.index_cast %scan3A_233 : i32 to index
          %get3A_451 = arith.constant 240 : index
          %get3A_452 = tpu.vector_load %arg10[%get3A_449, %get3A_450, %get3A_451] {strides = array<i32>} : memref<2x80x256xf32, #tpu.memory_space<vmem>>, vector<1x1x16xf32>,
          %get3A_453 = vector.shape_cast %get3A_452 : vector<1x1x16xf32> to vector<16xf32>
          %mul3A_454 = arith.mulf %get3A_447, %get3A_453 : vector<16xf32>
          %add3A_455 = arith.addf %add3A_441, %mul3A_454 : vector<16xf32>
          %get3A_456 = arith.constant 1 : i32
          %get3A_457 = arith.index_cast %get3A_456 : i32 to index
          %get3A_458 = arith.index_cast %scan3A_233 : i32 to index
          %get3A_459 = arith.constant 0 : index
          %get3A_460 = tpu.vector_load %arg11[%get3A_457, %get3A_458, %get3A_459] {strides = array<i32>} : memref<2x80x16xf32, #tpu.memory_space<vmem>>, vector<1x1x16xf32>,
          %get3A_461 = vector.shape_cast %get3A_460 : vector<1x1x16xf32> to vector<16xf32>
          %add3A_462 = arith.addf %add3A_455, %get3A_461 : vector<16xf32>
          %mul3A_463 = arith.constant 2.000000e-01 : f32
          %mul3A_464 = vector.broadcast %mul3A_463 : f32 to vector<16xf32>
          %mul3A_465 = arith.mulf %add3A_462, %mul3A_464 : vector<16xf32>
          %max3A = arith.maximumf %add3A_462, %mul3A_465 : vector<16xf32>
          %exp3A = math.exp %max3A : vector<16xf32>
          %swap3A = arith.constant 1 : i32
          %swap3A_466 = arith.index_cast %swap3A : i32 to index
          %swap3A_467 = arith.index_cast %scan3A_233 : i32 to index
          %swap3A_468 = arith.constant 0 : index
          %swap3A_469 = tpu.vector_load %arg12[%swap3A_466, %swap3A_467, %swap3A_468] {strides = array<i32>} : memref<2x80x16xf32, #tpu.memory_space<vmem>>, vector<1x1x16xf32>,
          %swap3A_470 = vector.shape_cast %swap3A_469 : vector<1x1x16xf32> to vector<16xf32>
          %swap3A_471 = vector.shape_cast %exp3A : vector<16xf32> to vector<1x1x16xf32>
          tpu.vector_store %arg12[%swap3A_466, %swap3A_467, %swap3A_468], %swap3A_471 {strides = array<i32>} : memref<2x80x16xf32, #tpu.memory_space<vmem>>, vector<1x1x16xf32>,
        }
        %scan3A_214 = arith.constant 80 : i32
        %dma_start3A_215 = arith.constant 1 : i32
        %dma_start3A_216 = arith.constant 0 : i32
        %dma_start3A_217 = arith.constant 0 : i32
        %dma_start3A_218 = tpu.memref_slice %arg12[%dma_start3A_215, %dma_start3A_216, %dma_start3A_217] : memref<2x80x16xf32, #tpu.memory_space<vmem>> -> memref<1x80x16xf32, #tpu.memory_space<vmem>>
        %dma_start3A_219 = tpu.memref_squeeze %dma_start3A_218 : memref<1x80x16xf32, #tpu.memory_space<vmem>> -> memref<80x16xf32, #tpu.memory_space<vmem>>
        %dma_start3A_220 = arith.constant 0 : i32
        %dma_start3A_221 = tpu.memref_slice %arg8[%add3A_203, %dma_start3A_220] : memref<125x80xi32, #tpu.memory_space<vmem>> -> memref<1x80xi32, #tpu.memory_space<vmem>>
        %dma_start3A_222 = tpu.memref_squeeze %dma_start3A_221 : memref<1x80xi32, #tpu.memory_space<vmem>> -> memref<80xi32, #tpu.memory_space<vmem>>
        %dma_start3A_223 = arith.constant 0 : i32
        %dma_start3A_224 = arith.constant 0 : i32
        %dma_start3A_225 = tpu.memref_slice %arg14[%dma_start3A_223, %dma_start3A_224] : memref<10000x16xf32, #tpu.memory_space<vmem_shared>> -> memref<10000x16xf32, #tpu.memory_space<vmem_shared>>
        tpu.enqueue_indirect_dma source(%dma_start3A_219 : memref<80x16xf32, #tpu.memory_space<vmem>>) target(%dma_start3A_225 : memref<10000x16xf32, #tpu.memory_space<vmem_shared>>) offsets(%dma_start3A_222 : memref<80xi32, #tpu.memory_space<vmem>>) semaphore(%arg18 : memref<!tpu.dma_semaphore, #tpu.memory_space<semaphore_mem>>) {add = true}
        %add3A_226 = arith.constant 2 : i32
        %add3A_227 = arith.addi %mul3A_123, %add3A_226 : i32
        %lt3A_228 = arith.constant 125 : i32
        %lt3A_229 = arith.cmpi slt, %add3A_227, %lt3A_228 : i32
        %convert_element_type3A_230 = arith.extui %lt3A_229 : i1 to i32
        %cond3A_231 = arith.constant 0 : i32
        %cond3A_232 = arith.cmpi ne, %convert_element_type3A_230, %cond3A_231 : i32
        scf.if %cond3A_232 {
          %dma_wait3A_233 = arith.constant 0 : i32
          %dma_wait3A_234 = arith.constant 0 : i32
          %dma_wait3A_235 = arith.constant 0 : i32
          %dma_wait3A_236 = arith.constant 0 : i32
          %dma_wait3A_237 = tpu.memref_slice %arg9[%dma_wait3A_234, %dma_wait3A_235, %dma_wait3A_236] : memref<2x80x256xf32, #tpu.memory_space<vmem>> -> memref<1x80x256xf32, #tpu.memory_space<vmem>>
          %dma_wait3A_238 = tpu.memref_squeeze %dma_wait3A_237 : memref<1x80x256xf32, #tpu.memory_space<vmem>> -> memref<80x256xf32, #tpu.memory_space<vmem>>
          %dma_wait3A_239 = arith.constant 0 : i32
          %dma_wait3A_240 = tpu.memref_slice %arg7[%dma_wait3A_233, %dma_wait3A_239] : memref<125x80xi32, #tpu.memory_space<vmem>> -> memref<1x80xi32, #tpu.memory_space<vmem>>
          %dma_wait3A_241 = tpu.memref_squeeze %dma_wait3A_240 : memref<1x80xi32, #tpu.memory_space<vmem>> -> memref<80xi32, #tpu.memory_space<vmem>>
          %dma_wait3A_242 = arith.constant 0 : i32
          %dma_wait3A_243 = arith.constant 0 : i32
          %dma_wait3A_244 = tpu.memref_slice %arg2[%dma_wait3A_242, %dma_wait3A_243] : memref<10000x256xf32, #tpu.memory_space<hbm>> -> memref<10000x256xf32, #tpu.memory_space<hbm>>
          tpu.wait_indirect_dma semaphore(%arg15 : memref<!tpu.dma_semaphore, #tpu.memory_space<semaphore_mem>>) src(%dma_wait3A_244 : memref<10000x256xf32, #tpu.memory_space<hbm>>) dst(%dma_wait3A_238 : memref<80x256xf32, #tpu.memory_space<vmem>>)
          %dma_wait3A_245 = arith.constant 0 : i32
          %dma_wait3A_246 = arith.constant 0 : i32
          %dma_wait3A_247 = arith.constant 0 : i32
          %dma_wait3A_248 = arith.constant 0 : i32
          %dma_wait3A_249 = tpu.memref_slice %arg10[%dma_wait3A_246, %dma_wait3A_247, %dma_wait3A_248] : memref<2x80x256xf32, #tpu.memory_space<vmem>> -> memref<1x80x256xf32, #tpu.memory_space<vmem>>
          %dma_wait3A_250 = tpu.memref_squeeze %dma_wait3A_249 : memref<1x80x256xf32, #tpu.memory_space<vmem>> -> memref<80x256xf32, #tpu.memory_space<vmem>>
          %dma_wait3A_251 = arith.constant 0 : i32
          %dma_wait3A_252 = tpu.memref_slice %arg8[%dma_wait3A_245, %dma_wait3A_251] : memref<125x80xi32, #tpu.memory_space<vmem>> -> memref<1x80xi32, #tpu.memory_space<vmem>>
          %dma_wait3A_253 = tpu.memref_squeeze %dma_wait3A_252 : memref<1x80xi32, #tpu.memory_space<vmem>> -> memref<80xi32, #tpu.memory_space<vmem>>
          %dma_wait3A_254 = arith.constant 0 : i32
          %dma_wait3A_255 = arith.constant 0 : i32
          %dma_wait3A_256 = tpu.memref_slice %arg2[%dma_wait3A_254, %dma_wait3A_255] : memref<10000x256xf32, #tpu.memory_space<hbm>> -> memref<10000x256xf32, #tpu.memory_space<hbm>>
          tpu.wait_indirect_dma semaphore(%arg15 : memref<!tpu.dma_semaphore, #tpu.memory_space<semaphore_mem>>) src(%dma_wait3A_256 : memref<10000x256xf32, #tpu.memory_space<hbm>>) dst(%dma_wait3A_250 : memref<80x256xf32, #tpu.memory_space<vmem>>)
          %dma_wait3A_257 = arith.constant 0 : i32
          %dma_wait3A_258 = arith.constant 0 : i32
          %dma_wait3A_259 = arith.constant 0 : i32
          %dma_wait3A_260 = tpu.memref_slice %arg11[%dma_wait3A_257, %dma_wait3A_258, %dma_wait3A_259] : memref<2x80x16xf32, #tpu.memory_space<vmem>> -> memref<1x80x16xf32, #tpu.memory_space<vmem>>
          %dma_wait3A_261 = tpu.memref_squeeze %dma_wait3A_260 : memref<1x80x16xf32, #tpu.memory_space<vmem>> -> memref<80x16xf32, #tpu.memory_space<vmem>>
          %dma_wait3A_262 = arith.constant 0 : i32
          %dma_wait3A_263 = tpu.memref_slice %arg3[%mul3A_13, %dma_wait3A_262] : memref<320000x16xf32, #tpu.memory_space<hbm>> -> memref<80x16xf32, #tpu.memory_space<hbm>>
          %dma_wait3A_264 = arith.constant 0 : i32
          %dma_wait3A_265 = arith.constant 0 : i32
          %dma_wait3A_266 = tpu.memref_slice %arg11[%dma_wait3A_257, %dma_wait3A_264, %dma_wait3A_265] : memref<2x80x16xf32, #tpu.memory_space<vmem>> -> memref<1x80x16xf32, #tpu.memory_space<vmem>>
          %dma_wait3A_267 = tpu.memref_squeeze %dma_wait3A_266 : memref<1x80x16xf32, #tpu.memory_space<vmem>> -> memref<80x16xf32, #tpu.memory_space<vmem>>
          %dma_wait3A_268 = arith.constant 0 : i32
          %dma_wait3A_269 = tpu.memref_slice %arg3[%mul3A_13, %dma_wait3A_268] : memref<320000x16xf32, #tpu.memory_space<hbm>> -> memref<80x16xf32, #tpu.memory_space<hbm>>
          tpu.wait_dma2 semaphore(%arg15 : memref<!tpu.dma_semaphore, #tpu.memory_space<semaphore_mem>>) src(%dma_wait3A_269 : memref<80x16xf32, #tpu.memory_space<hbm>>) dst(%dma_wait3A_267 : memref<80x16xf32, #tpu.memory_space<vmem>>)
        } else {
        }
      } else {
      }
    }
    %scan3A_93 = arith.constant 63 : i32
    %dma_wait3A_94 = arith.constant 0 : i32
    %dma_wait3A_95 = arith.constant 0 : i32
    %dma_wait3A_96 = arith.constant 0 : i32
    %dma_wait3A_97 = arith.constant 0 : i32
    %dma_wait3A_98 = tpu.memref_slice %arg12[%dma_wait3A_94, %dma_wait3A_96, %dma_wait3A_97] : memref<2x80x16xf32, #tpu.memory_space<vmem>> -> memref<1x80x16xf32, #tpu.memory_space<vmem>>
    %dma_wait3A_99 = tpu.memref_squeeze %dma_wait3A_98 : memref<1x80x16xf32, #tpu.memory_space<vmem>> -> memref<80x16xf32, #tpu.memory_space<vmem>>
    %dma_wait3A_100 = arith.constant 0 : i32
    %dma_wait3A_101 = tpu.memref_slice %arg8[%dma_wait3A_95, %dma_wait3A_100] : memref<125x80xi32, #tpu.memory_space<vmem>> -> memref<1x80xi32, #tpu.memory_space<vmem>>
    %dma_wait3A_102 = tpu.memref_squeeze %dma_wait3A_101 : memref<1x80xi32, #tpu.memory_space<vmem>> -> memref<80xi32, #tpu.memory_space<vmem>>
    %dma_wait3A_103 = arith.constant 0 : i32
    %dma_wait3A_104 = arith.constant 0 : i32
    %dma_wait3A_105 = tpu.memref_slice %arg14[%dma_wait3A_103, %dma_wait3A_104] : memref<10000x16xf32, #tpu.memory_space<vmem_shared>> -> memref<10000x16xf32, #tpu.memory_space<vmem_shared>>
    tpu.wait_indirect_dma semaphore(%arg17 : memref<!tpu.dma_semaphore, #tpu.memory_space<semaphore_mem>>) src(%dma_wait3A_99 : memref<80x16xf32, #tpu.memory_space<vmem>>) dst(%dma_wait3A_105 : memref<10000x16xf32, #tpu.memory_space<vmem_shared>>)
    %dma_wait3A_106 = arith.constant 1 : i32
    %dma_wait3A_107 = arith.constant 0 : i32
    %dma_wait3A_108 = arith.constant 0 : i32
    %dma_wait3A_109 = arith.constant 0 : i32
    %dma_wait3A_110 = tpu.memref_slice %arg12[%dma_wait3A_106, %dma_wait3A_108, %dma_wait3A_109] : memref<2x80x16xf32, #tpu.memory_space<vmem>> -> memref<1x80x16xf32, #tpu.memory_space<vmem>>
    %dma_wait3A_111 = tpu.memref_squeeze %dma_wait3A_110 : memref<1x80x16xf32, #tpu.memory_space<vmem>> -> memref<80x16xf32, #tpu.memory_space<vmem>>
    %dma_wait3A_112 = arith.constant 0 : i32
    %dma_wait3A_113 = tpu.memref_slice %arg8[%dma_wait3A_107, %dma_wait3A_112] : memref<125x80xi32, #tpu.memory_space<vmem>> -> memref<1x80xi32, #tpu.memory_space<vmem>>
    %dma_wait3A_114 = tpu.memref_squeeze %dma_wait3A_113 : memref<1x80xi32, #tpu.memory_space<vmem>> -> memref<80xi32, #tpu.memory_space<vmem>>
    %dma_wait3A_115 = arith.constant 0 : i32
    %dma_wait3A_116 = arith.constant 0 : i32
    %dma_wait3A_117 = tpu.memref_slice %arg14[%dma_wait3A_115, %dma_wait3A_116] : memref<10000x16xf32, #tpu.memory_space<vmem_shared>> -> memref<10000x16xf32, #tpu.memory_space<vmem_shared>>
    tpu.wait_indirect_dma semaphore(%arg18 : memref<!tpu.dma_semaphore, #tpu.memory_space<semaphore_mem>>) src(%dma_wait3A_111 : memref<80x16xf32, #tpu.memory_space<vmem>>) dst(%dma_wait3A_117 : memref<10000x16xf32, #tpu.memory_space<vmem_shared>>)
    %barrier3A_118 = arith.constant 0 : index
    tpu.barrier barrier_id(%barrier3A_118)
    %eq3A = arith.constant 0 : i32
    %eq3A_119 = arith.cmpi eq, %arg1, %eq3A : i32
    %convert_element_type3A = arith.extui %eq3A_119 : i1 to i32
    %cond3A = arith.constant 0 : i32
    %cond3A_120 = arith.cmpi ne, %convert_element_type3A, %cond3A : i32
    scf.if %cond3A_120 {
      "tpu.region"() ({
        %run_scoped3A = tpu.sem_alloc : memref<!tpu.dma_semaphore, #tpu.memory_space<semaphore_mem>>
        %dma_start3A_121 = arith.constant 0 : i32
        %dma_start3A_122 = arith.constant 0 : i32
        %dma_start3A_123 = tpu.memref_slice %arg6[%arg0, %dma_start3A_121, %dma_start3A_122] : memref<2x10000x16xf32, #tpu.memory_space<hbm>> -> memref<1x10000x16xf32, #tpu.memory_space<hbm>>
        %dma_start3A_124 = tpu.memref_squeeze %dma_start3A_123 : memref<1x10000x16xf32, #tpu.memory_space<hbm>> -> memref<10000x16xf32, #tpu.memory_space<hbm>>
        tpu.enqueue_dma source(%arg14 : memref<10000x16xf32, #tpu.memory_space<vmem_shared>>) target(%dma_start3A_124 : memref<10000x16xf32, #tpu.memory_space<hbm>>) target_semaphore(%run_scoped3A : memref<!tpu.dma_semaphore, #tpu.memory_space<semaphore_mem>>)
        %dma_wait3A_125 = arith.constant 0 : i32
        %dma_wait3A_126 = arith.constant 0 : i32
        %dma_wait3A_127 = tpu.memref_slice %arg6[%arg0, %dma_wait3A_125, %dma_wait3A_126] : memref<2x10000x16xf32, #tpu.memory_space<hbm>> -> memref<1x10000x16xf32, #tpu.memory_space<hbm>>
        %dma_wait3A_128 = tpu.memref_squeeze %dma_wait3A_127 : memref<1x10000x16xf32, #tpu.memory_space<hbm>> -> memref<10000x16xf32, #tpu.memory_space<hbm>>
        tpu.wait_dma2 semaphore(%run_scoped3A : memref<!tpu.dma_semaphore, #tpu.memory_space<semaphore_mem>>) src(%arg14 : memref<10000x16xf32, #tpu.memory_space<vmem_shared>>) dst(%dma_wait3A_128 : memref<10000x16xf32, #tpu.memory_space<hbm>>)
        tpu.yield
      }) : () -> ()
    } else {
    }
    return
  }
}

module attributes {stable_mosaic.version = 14 : i64} {
  func.func @body(%arg0: i32, %arg1: memref<1000x128xf32, #tpu.memory_space<vmem>>, %arg2: memref<128x256xf32, #tpu.memory_space<vmem>>, %arg3: memref<256x256xf32, #tpu.memory_space<vmem>>, %arg4: memref<1000x256xf32, #tpu.memory_space<vmem>>) attributes {dimension_semantics = [#tpu.dimension_semantics<arbitrary>], iteration_bounds = array<i64: 10>, scalar_prefetch = 0 : i64, scratch_operands = 0 : i64, tpu.core_type = #tpu.core_type<tc>, window_params = [{transform_indices = @transform_0, window_bounds = array<i64: 1000, 128>}, {pipeline_mode = #tpu.pipeline_mode<synchronous>, transform_indices = @transform_1, window_bounds = array<i64: 128, 256>}, {pipeline_mode = #tpu.pipeline_mode<synchronous>, transform_indices = @transform_2, window_bounds = array<i64: 256, 256>}, {transform_indices = @transform_3, window_bounds = array<i64: 1000, 256>}]} {
    %get3A = arith.constant 0 : index
    %get3A_0 = arith.constant 0 : index
    %get3A_1 = vector.load %arg1[%get3A, %get3A_0] : memref<1000x128xf32, #tpu.memory_space<vmem>>, vector<1000x128xf32>
    %convert_element_type3A = arith.truncf %get3A_1 : vector<1000x128xf32> to vector<1000x128xbf16>
    %get3A_2 = arith.constant 0 : index
    %get3A_3 = arith.constant 0 : index
    %get3A_4 = vector.load %arg2[%get3A_2, %get3A_3] : memref<128x256xf32, #tpu.memory_space<vmem>>, vector<128x256xf32>
    %convert_element_type3A_5 = arith.truncf %get3A_4 : vector<128x256xf32> to vector<128x256xbf16>
    %dot_general3A = arith.constant dense<0.000000e+00> : vector<1000x256xf32>
    %dot_general3A_6 = tpu.matmul %convert_element_type3A, %convert_element_type3A_5, %dot_general3A {dimension_numbers = #tpu.dot_dimension_numbers<[1], [0], [0], [1], [0, 0, 1, 1], [], []>, transpose_lhs_hint = false} : vector<1000x128xbf16>, vector<128x256xbf16>, vector<1000x256xf32> -> vector<1000x256xf32>
    %convert_element_type3A_7 = arith.truncf %dot_general3A_6 : vector<1000x256xf32> to vector<1000x256xbf16>
    %get3A_8 = arith.constant 0 : index
    %get3A_9 = arith.constant 0 : index
    %get3A_10 = vector.load %arg3[%get3A_8, %get3A_9] : memref<256x256xf32, #tpu.memory_space<vmem>>, vector<256x256xf32>
    %convert_element_type3A_11 = arith.truncf %get3A_10 : vector<256x256xf32> to vector<256x256xbf16>
    %dot_general3A_12 = arith.constant dense<0.000000e+00> : vector<1000x256xf32>
    %dot_general3A_13 = tpu.matmul %convert_element_type3A_7, %convert_element_type3A_11, %dot_general3A_12 {dimension_numbers = #tpu.dot_dimension_numbers<[1], [0], [0], [1], [0, 0, 1, 1], [], []>, transpose_lhs_hint = false} : vector<1000x256xbf16>, vector<256x256xbf16>, vector<1000x256xf32> -> vector<1000x256xf32>
    %swap3A = arith.constant 0 : index
    %swap3A_14 = arith.constant 0 : index
    %swap3A_15 = vector.load %arg4[%swap3A, %swap3A_14] : memref<1000x256xf32, #tpu.memory_space<vmem>>, vector<1000x256xf32>
    tpu.vector_store %arg4[%swap3A, %swap3A_14], %dot_general3A_13 {strides = array<i32>} : memref<1000x256xf32, #tpu.memory_space<vmem>>, vector<1000x256xf32>,
    return
  }
  func.func @transform_0(%arg0: i32) -> (i32, i32) {
    %c0_i32 = arith.constant 0 : i32
    %c0_i32_0 = arith.constant 0 : i32
    return %arg0, %c0_i32 : i32, i32
  }
  func.func @transform_1(%arg0: i32) -> (i32, i32) {
    %c0_i32 = arith.constant 0 : i32
    %c0_i32_0 = arith.constant 0 : i32
    %c0_i32_1 = arith.constant 0 : i32
    return %c0_i32, %c0_i32_0 : i32, i32
  }
  func.func @transform_2(%arg0: i32) -> (i32, i32) {
    %c0_i32 = arith.constant 0 : i32
    %c0_i32_0 = arith.constant 0 : i32
    %c0_i32_1 = arith.constant 0 : i32
    return %c0_i32, %c0_i32_0 : i32, i32
  }
  func.func @transform_3(%arg0: i32) -> (i32, i32) {
    %c0_i32 = arith.constant 0 : i32
    %c0_i32_0 = arith.constant 0 : i32
    return %arg0, %c0_i32 : i32, i32
  }
}

module attributes {stable_mosaic.version = 14 : i64} {
  func.func @body(%arg0: i32, %arg1: memref<2000x128xf32, #tpu.memory_space<vmem>>, %arg2: memref<128x512xf32, #tpu.memory_space<vmem>>, %arg3: memref<512x128xf32, #tpu.memory_space<vmem>>, %arg4: memref<2000x128xf32, #tpu.memory_space<vmem>>) attributes {dimension_semantics = [#tpu.dimension_semantics<arbitrary>], iteration_bounds = array<i64: 20>, scalar_prefetch = 0 : i64, scratch_operands = 0 : i64, tpu.core_type = #tpu.core_type<tc>, window_params = [{transform_indices = @transform_0, window_bounds = array<i64: 2000, 128>}, {pipeline_mode = #tpu.pipeline_mode<synchronous>, transform_indices = @transform_1, window_bounds = array<i64: 128, 512>}, {pipeline_mode = #tpu.pipeline_mode<synchronous>, transform_indices = @transform_2, window_bounds = array<i64: 512, 128>}, {transform_indices = @transform_3, window_bounds = array<i64: 2000, 128>}]} {
    %get3A = arith.constant 0 : index
    %get3A_0 = arith.constant 0 : index
    %get3A_1 = vector.load %arg1[%get3A, %get3A_0] : memref<2000x128xf32, #tpu.memory_space<vmem>>, vector<2000x128xf32>
    %convert_element_type3A = arith.truncf %get3A_1 : vector<2000x128xf32> to vector<2000x128xbf16>
    %get3A_2 = arith.constant 0 : index
    %get3A_3 = arith.constant 0 : index
    %get3A_4 = vector.load %arg2[%get3A_2, %get3A_3] : memref<128x512xf32, #tpu.memory_space<vmem>>, vector<128x512xf32>
    %convert_element_type3A_5 = arith.truncf %get3A_4 : vector<128x512xf32> to vector<128x512xbf16>
    %dot_general3A = arith.constant dense<0.000000e+00> : vector<2000x512xf32>
    %dot_general3A_6 = tpu.matmul %convert_element_type3A, %convert_element_type3A_5, %dot_general3A {dimension_numbers = #tpu.dot_dimension_numbers<[1], [0], [0], [1], [0, 0, 1, 1], [], []>, transpose_lhs_hint = false} : vector<2000x128xbf16>, vector<128x512xbf16>, vector<2000x512xf32> -> vector<2000x512xf32>
    %convert_element_type3A_7 = arith.truncf %dot_general3A_6 : vector<2000x512xf32> to vector<2000x512xbf16>
    %get3A_8 = arith.constant 0 : index
    %get3A_9 = arith.constant 0 : index
    %get3A_10 = vector.load %arg3[%get3A_8, %get3A_9] : memref<512x128xf32, #tpu.memory_space<vmem>>, vector<512x128xf32>
    %convert_element_type3A_11 = arith.truncf %get3A_10 : vector<512x128xf32> to vector<512x128xbf16>
    %dot_general3A_12 = arith.constant dense<0.000000e+00> : vector<2000x128xf32>
    %dot_general3A_13 = tpu.matmul %convert_element_type3A_7, %convert_element_type3A_11, %dot_general3A_12 {dimension_numbers = #tpu.dot_dimension_numbers<[1], [0], [0], [1], [0, 0, 1, 1], [], []>, transpose_lhs_hint = false} : vector<2000x512xbf16>, vector<512x128xbf16>, vector<2000x128xf32> -> vector<2000x128xf32>
    %swap3A = arith.constant 0 : index
    %swap3A_14 = arith.constant 0 : index
    %swap3A_15 = vector.load %arg4[%swap3A, %swap3A_14] : memref<2000x128xf32, #tpu.memory_space<vmem>>, vector<2000x128xf32>
    tpu.vector_store %arg4[%swap3A, %swap3A_14], %dot_general3A_13 {strides = array<i32>} : memref<2000x128xf32, #tpu.memory_space<vmem>>, vector<2000x128xf32>,
    return
  }
  func.func @transform_0(%arg0: i32) -> (i32, i32) {
    %c0_i32 = arith.constant 0 : i32
    %c0_i32_0 = arith.constant 0 : i32
    return %arg0, %c0_i32 : i32, i32
  }
  func.func @transform_1(%arg0: i32) -> (i32, i32) {
    %c0_i32 = arith.constant 0 : i32
    %c0_i32_0 = arith.constant 0 : i32
    %c0_i32_1 = arith.constant 0 : i32
    return %c0_i32, %c0_i32_0 : i32, i32
  }
  func.func @transform_2(%arg0: i32) -> (i32, i32) {
    %c0_i32 = arith.constant 0 : i32
    %c0_i32_0 = arith.constant 0 : i32
    %c0_i32_1 = arith.constant 0 : i32
    return %c0_i32, %c0_i32_0 : i32, i32
  }
  func.func @transform_3(%arg0: i32) -> (i32, i32) {
    %c0_i32 = arith.constant 0 : i32
    %c0_i32_0 = arith.constant 0 : i32
    return %arg0, %c0_i32 : i32, i32
  }
}

module attributes {stable_mosaic.version = 14 : i64} {
  func.func @reduce_body(%arg0: memref<2x1250x128xf32, #tpu.memory_space<vmem>>, %arg1: memref<128x128xf32, #tpu.memory_space<vmem>>, %arg2: memref<1250x128xf32, #tpu.memory_space<vmem>>, %arg3: memref<1x128xf32, #tpu.memory_space<vmem>>) attributes {dimension_semantics = [], scalar_prefetch = 0 : i64, scratch_operands = 0 : i64, tpu.core_type = #tpu.core_type<tc>} {
    %get3A = arith.constant 0 : index
    %get3A_0 = arith.constant 0 : index
    %get3A_1 = arith.constant 0 : index
    %get3A_2 = vector.load %arg0[%get3A, %get3A_0, %get3A_1] : memref<2x1250x128xf32, #tpu.memory_space<vmem>>, vector<1x1250x128xf32>
    %get3A_3 = vector.shape_cast %get3A_2 : vector<1x1250x128xf32> to vector<1250x128xf32>
    %get3A_4 = arith.constant 1 : index
    %get3A_5 = arith.constant 0 : index
    %get3A_6 = arith.constant 0 : index
    %get3A_7 = vector.load %arg0[%get3A_4, %get3A_5, %get3A_6] : memref<2x1250x128xf32, #tpu.memory_space<vmem>>, vector<1x1250x128xf32>
    %get3A_8 = vector.shape_cast %get3A_7 : vector<1x1250x128xf32> to vector<1250x128xf32>
    %add3A = arith.addf %get3A_3, %get3A_8 : vector<1250x128xf32>
    %reduce_sum3A = arith.constant dense<0.000000e+00> : vector<128xf32>
    %reduce_sum3A_9 = vector.multi_reduction <add>, %add3A, %reduce_sum3A [0] : vector<1250x128xf32> to vector<128xf32>
    %broadcast_in_dim3A = vector.shape_cast %reduce_sum3A_9 : vector<128xf32> to vector<1x128xf32>
    %swap3A = arith.constant 0 : index
    %swap3A_10 = arith.constant 0 : index
    %swap3A_11 = vector.load %arg2[%swap3A, %swap3A_10] : memref<1250x128xf32, #tpu.memory_space<vmem>>, vector<1250x128xf32>
    tpu.vector_store %arg2[%swap3A, %swap3A_10], %add3A {strides = array<i32>} : memref<1250x128xf32, #tpu.memory_space<vmem>>, vector<1250x128xf32>,
    %get3A_12 = arith.constant 0 : index
    %get3A_13 = arith.constant 0 : index
    %get3A_14 = vector.load %arg1[%get3A_12, %get3A_13] : memref<128x128xf32, #tpu.memory_space<vmem>>, vector<128x128xf32>
    %dot_general3A = arith.constant dense<0.000000e+00> : vector<1x128xf32>
    %dot_general3A_15 = tpu.matmul %broadcast_in_dim3A, %get3A_14, %dot_general3A {dimension_numbers = #tpu.dot_dimension_numbers<[1], [0], [0], [1], [0, 0, 1, 1], [], []>, precision = #tpu.contract_precision<fp32>, transpose_lhs_hint = false} : vector<1x128xf32>, vector<128x128xf32>, vector<1x128xf32> -> vector<1x128xf32>
    %swap3A_16 = arith.constant 0 : index
    %swap3A_17 = arith.constant 0 : index
    %swap3A_18 = vector.load %arg3[%swap3A_16, %swap3A_17] : memref<1x128xf32, #tpu.memory_space<vmem>>, vector<1x128xf32>
    tpu.vector_store %arg3[%swap3A_16, %swap3A_17], %dot_general3A_15 {strides = array<i32>} : memref<1x128xf32, #tpu.memory_space<vmem>>, vector<1x128xf32>,
    return
  }
}

module attributes {stable_mosaic.version = 14 : i64} {
  func.func @body(%arg0: i32, %arg1: memref<1000x256xf32, #tpu.memory_space<vmem>>, %arg2: memref<1000x16xf32, #tpu.memory_space<vmem>>, %arg3: memref<1x16xf32, #tpu.memory_space<vmem>>, %arg4: memref<16x256xf32, #tpu.memory_space<vmem>>, %arg5: memref<256x16xf32, #tpu.memory_space<vmem>>, %arg6: memref<1000x16xf32, #tpu.memory_space<vmem>>) attributes {dimension_semantics = [#tpu.dimension_semantics<arbitrary>], iteration_bounds = array<i64: 10>, scalar_prefetch = 0 : i64, scratch_operands = 0 : i64, tpu.core_type = #tpu.core_type<tc>, window_params = [{transform_indices = @transform_0, window_bounds = array<i64: 1000, 256>}, {transform_indices = @transform_1, window_bounds = array<i64: 1000, 16>}, {pipeline_mode = #tpu.pipeline_mode<synchronous>, transform_indices = @transform_2, window_bounds = array<i64: 1, 16>}, {pipeline_mode = #tpu.pipeline_mode<synchronous>, transform_indices = @transform_3, window_bounds = array<i64: 16, 256>}, {pipeline_mode = #tpu.pipeline_mode<synchronous>, transform_indices = @transform_4, window_bounds = array<i64: 256, 16>}, {transform_indices = @transform_5, window_bounds = array<i64: 1000, 16>}]} {
    %get3A = arith.constant 0 : index
    %get3A_0 = arith.constant 0 : index
    %get3A_1 = vector.load %arg2[%get3A, %get3A_0] : memref<1000x16xf32, #tpu.memory_space<vmem>>, vector<1000x16xf32>
    %get3A_2 = arith.constant 0 : index
    %get3A_3 = arith.constant 0 : index
    %get3A_4 = vector.load %arg3[%get3A_2, %get3A_3] : memref<1x16xf32, #tpu.memory_space<vmem>>, vector<1x16xf32>
    %div3A = vector.broadcast %get3A_4 : vector<1x16xf32> to vector<1000x16xf32>
    %div3A_5 = arith.divf %get3A_1, %div3A : vector<1000x16xf32>
    %get3A_6 = arith.constant 0 : index
    %get3A_7 = arith.constant 0 : index
    %get3A_8 = vector.load %arg4[%get3A_6, %get3A_7] : memref<16x256xf32, #tpu.memory_space<vmem>>, vector<16x256xf32>
    %dot_general3A = arith.constant dense<0.000000e+00> : vector<1000x256xf32>
    %dot_general3A_9 = tpu.matmul %div3A_5, %get3A_8, %dot_general3A {dimension_numbers = #tpu.dot_dimension_numbers<[1], [0], [0], [1], [0, 0, 1, 1], [], []>, precision = #tpu.contract_precision<fp32>, transpose_lhs_hint = false} : vector<1000x16xf32>, vector<16x256xf32>, vector<1000x256xf32> -> vector<1000x256xf32>
    %get3A_10 = arith.constant 0 : index
    %get3A_11 = arith.constant 0 : index
    %get3A_12 = vector.load %arg1[%get3A_10, %get3A_11] : memref<1000x256xf32, #tpu.memory_space<vmem>>, vector<1000x256xf32>
    %mul3A = arith.mulf %get3A_12, %dot_general3A_9 : vector<1000x256xf32>
    %get3A_13 = arith.constant 0 : index
    %get3A_14 = arith.constant 0 : index
    %get3A_15 = vector.load %arg5[%get3A_13, %get3A_14] : memref<256x16xf32, #tpu.memory_space<vmem>>, vector<256x16xf32>
    %dot_general3A_16 = arith.constant dense<0.000000e+00> : vector<1000x16xf32>
    %dot_general3A_17 = tpu.matmul %mul3A, %get3A_15, %dot_general3A_16 {dimension_numbers = #tpu.dot_dimension_numbers<[1], [0], [0], [1], [0, 0, 1, 1], [], []>, precision = #tpu.contract_precision<fp32>, transpose_lhs_hint = false} : vector<1000x256xf32>, vector<256x16xf32>, vector<1000x16xf32> -> vector<1000x16xf32>
    %max3A = arith.constant 0.000000e+00 : f32
    %max3A_18 = vector.broadcast %max3A : f32 to vector<1000x16xf32>
    %max3A_19 = arith.maximumf %dot_general3A_17, %max3A_18 : vector<1000x16xf32>
    %swap3A = arith.constant 0 : index
    %swap3A_20 = arith.constant 0 : index
    %swap3A_21 = vector.load %arg6[%swap3A, %swap3A_20] : memref<1000x16xf32, #tpu.memory_space<vmem>>, vector<1000x16xf32>
    tpu.vector_store %arg6[%swap3A, %swap3A_20], %max3A_19 {strides = array<i32>} : memref<1000x16xf32, #tpu.memory_space<vmem>>, vector<1000x16xf32>,
    return
  }
  func.func @transform_0(%arg0: i32) -> (i32, i32) {
    %c0_i32 = arith.constant 0 : i32
    %c0_i32_0 = arith.constant 0 : i32
    return %arg0, %c0_i32 : i32, i32
  }
  func.func @transform_1(%arg0: i32) -> (i32, i32) {
    %c0_i32 = arith.constant 0 : i32
    %c0_i32_0 = arith.constant 0 : i32
    return %arg0, %c0_i32 : i32, i32
  }
  func.func @transform_2(%arg0: i32) -> (i32, i32) {
    %c0_i32 = arith.constant 0 : i32
    %c0_i32_0 = arith.constant 0 : i32
    %c0_i32_1 = arith.constant 0 : i32
    return %c0_i32, %c0_i32_0 : i32, i32
  }
  func.func @transform_3(%arg0: i32) -> (i32, i32) {
    %c0_i32 = arith.constant 0 : i32
    %c0_i32_0 = arith.constant 0 : i32
    %c0_i32_1 = arith.constant 0 : i32
    return %c0_i32, %c0_i32_0 : i32, i32
  }
  func.func @transform_4(%arg0: i32) -> (i32, i32) {
    %c0_i32 = arith.constant 0 : i32
    %c0_i32_0 = arith.constant 0 : i32
    %c0_i32_1 = arith.constant 0 : i32
    return %c0_i32, %c0_i32_0 : i32, i32
  }
  func.func @transform_5(%arg0: i32) -> (i32, i32) {
    %c0_i32 = arith.constant 0 : i32
    %c0_i32_0 = arith.constant 0 : i32
    return %arg0, %c0_i32 : i32, i32
  }
}

</mosaic_0001>

<sc_bundles>
// kernel: kernel.7.cloned.1.call-start
scs
__scs_entry_jumppad:
0x0: {  	(pc) =	sbr.rel $0x88, $3  }
0x1: {  	(tag) =	ssettag $0x0;
	lr =	simm.s32 $0x1  }
0x2: {  	[smem:$0x3F99] =	sst lr;
	_ =	strace $0xD0000000  }
0x3: {  	_ = 	snop  }
0x4: {  	_ = 	snop  }
0x5: {  	_ = 	snop  }
0x6: {  	_ = 	snop  }
0x7: {  	_ = 	snop  }
__scs_overlays_trampoline_lowered:
0x8: {  	[smem:$0x3FA8] =	sst s0  }
0x9: {  	[smem:$0x3FA9] =	sst s1  }
0xa: {  	[smem:$0x3FAA] =	sst s2  }
0xb: {  	[smem:$0x3FAB] =	sst s3  }
0xc: {  	[smem:$0x3FAC] =	sst s4  }
0xd: {  	[smem:$0x3FAD] =	sst s5  }
0xe: {  	[smem:$0x3FAE] =	sst s6  }
0xf: {  	[smem:$0x3FAF] =	sst s7  }
0x10: {  	[smem:$0x3FB0] =	sst s8  }
0x11: {  	[smem:$0x3FB1] =	sst s9;
	s0 =	simm.s32 @!p0 $0x0  }
0x12: {  	s1 =	sld [smem:$0x3F97];
	s0 =	simm.s32 @p0 $0x1  }
0x13: {  	[smem:$0x3FB2] =	sst s0;
	s0 =	simm.s32 @!p1 $0x0  }
0x14: {  	s2 =	sld [smem:$0x3F96];
	s0 =	simm.s32 @p1 $0x1  }
0x15: {  	[smem:$0x3FB3] =	sst s0;
	s0 =	simm.s32 @!p2 $0x0  }
0x16: {  	s3 =	sld [smem:$0x3FDB];
	s0 =	simm.s32 @p2 $0x1  }
0x17: {  	s4 =	simm.s32 $0x1BF5;
	[smem:$0x3FB5] =	sst s0  }
0x18: {  	s0 =	sld [smem:$0x3F98];
	_ =	swait.ge [sflag:s4], $0x0  }
0x19: {  	s7 =	sld [smem:$0x3F99]  }
0x1a: {  	s8 =	sadd.s32 $0xFFFFE003, lr  }
0x1b: {  	s9 =	sadd.s32 $0xFFFFFEF7, lr;
	s5 =	simm.s32 $0xFFFFFFFF;
	p2 =	slt.u32 s8, $0xFFFFF086  }
0x1c: {  	p1 =	slt.u32 s9, $0xF7A;
	s5 =	simm.s32 @!p2 $0x0  }
0x1d: {  	s5 =	simm.s32 @p1 $0x1;
	p0 =	seq.s32 s7, s2  }
0x1e: {  	s7 =	smul.u32 @!p0 $0xF7A, s2;
	p2 =	seq.s32 @!p0 s5, $0x0  }
0x1f: {  	s9 =	smul.u32 $0xF7A, s1;
	s8 =	simm.s32 @!p0 $0x1BF5;
	p2 =	por !p2, p0  }
0x20: {  	[sflag:s8] =	ssyncset.s32 @!p0 $0xFFFFF086;
	s6 =	sadd.s32 @!p0 s3, s7;
	s7 =	simm.s32 @!p0 $0x108  }
0x21: {  	s3 =	sadd.s32 s3, s9;
	s6 =	sadd.s32 @!p0 $0x88, s6;
	s7 =	simm.s32 @p2 $0x1082  }
0x22: {  	[simem:s7], [sflag:s8] =	dma.local @!p0 [hbm:s6], $0xF7A  }
0x23: {  	s9 =	sor.u32 $0xD0000000, s2;
	s6 =	simm.s32 $0x108;
	_ =	swait.ge @!p0 [sflag:s8], $0x0  }
0x24: {  	s3 =	sadd.s32 $0x88, s3;
	s6 =	simm.s32 @!p1 $0x1082;
	[sflag:s4] =	ssyncset.s32 $0xFFFFF086  }
0x25: {  	[simem:s6], [sflag:s4] =	dma.local [hbm:s3], $0xF7A  }
0x26: {  	[smem:$0x3F99] =	sst s1;
	(tag) =	ssettag s2;
	_ =	strace s9  }
0x27: {  	s1 =	sld [smem:$0x3FA9]  }
0x28: {  	s2 =	sld [smem:$0x3FAA]  }
0x29: {  	s4 =	sld [smem:$0x3FAC]  }
0x2a: {  	p0 =	seq.s32 s5, $0x0;
	s5 =	sld [smem:$0x3FAD]  }
0x2b: {  	s6 =	sld [smem:$0x3FAE]  }
0x2c: {  	s7 =	sld [smem:$0x3FAF]  }
0x2d: {  	s3 =	simm.s32 $0x108;
	s8 =	sld [smem:$0x3FB0]  }
0x2e: {  	s3 =	simm.s32 @!p0 $0x1082;
	s9 =	sld [smem:$0x3FB1]  }
0x2f: {  	lr =	sadd.s32 s0, s3;
	s0 =	sld [smem:$0x3FA8]  }
0x30: {  	s3 =	sld [smem:$0x3FAB]  }
0x31: {  	[smem:$0x3FB4] =	sst s10  }
0x32: {  	s10 =	sld [smem:$0x3FB2];
	_ =	sdelay $0x3  }
0x33: {  	p0 =	seq.s32 s10, $0x1;
	s10 =	sld [smem:$0x3FB4];
	_ =	sdelay $0x3  }
0x34: {  	[smem:$0x3FB4] =	sst s10  }
0x35: {  	s10 =	sld [smem:$0x3FB3];
	_ =	sdelay $0x3  }
0x36: {  	p1 =	seq.s32 s10, $0x1;
	s10 =	sld [smem:$0x3FB4];
	_ =	sdelay $0x3  }
0x37: {  	[smem:$0x3FB4] =	sst s10  }
0x38: {  	s10 =	sld [smem:$0x3FB5]  }
0x39: {  	_ = 	snop;
	(pc) =	sbr.ind lr, $3  }
0x3a: {  	_ = 	snop  }
0x3b: {  	_ = 	snop  }
0x3c: {  	p2 =	seq.s32 s10, $0x1;
	s10 =	sld [smem:$0x3FB4]  }
0x3d: {  	_ =	shalt  }
0x3e: {  	_ =	shalt  }
0x3f: {  	_ =	shalt  }
0x40: {  	_ =	shalt  }
0x41: {  	_ =	shalt  }
0x42: {  	_ =	shalt  }
0x43: {  	_ =	shalt  }
0x44: {  	_ =	shalt  }
0x45: {  	_ =	shalt  }
0x46: {  	_ =	shalt  }
0x47: {  	_ =	shalt  }
0x48: {  	_ =	shalt  }
0x49: {  	_ =	shalt  }
0x4a: {  	_ =	shalt  }
0x4b: {  	_ =	shalt  }
0x4c: {  	_ =	shalt  }
0x4d: {  	_ =	shalt  }
0x4e: {  	_ =	shalt  }
0x4f: {  	_ =	shalt  }
0x50: {  	_ =	shalt  }
0x51: {  	_ =	shalt  }
0x52: {  	_ =	shalt  }
0x53: {  	_ =	shalt  }
0x54: {  	_ =	shalt  }
0x55: {  	_ =	shalt  }
0x56: {  	_ =	shalt  }
0x57: {  	_ =	shalt  }
0x58: {  	_ =	shalt  }
0x59: {  	_ =	shalt  }
0x5a: {  	_ =	shalt  }
0x5b: {  	_ =	shalt  }
0x5c: {  	_ =	shalt  }
0x5d: {  	_ =	shalt  }
0x5e: {  	_ =	shalt  }
0x5f: {  	_ =	shalt  }
0x60: {  	_ =	shalt  }
0x61: {  	_ =	shalt  }
0x62: {  	_ =	shalt  }
0x63: {  	_ =	shalt  }
0x64: {  	_ =	shalt  }
0x65: {  	_ =	shalt  }
0x66: {  	_ =	shalt  }
0x67: {  	_ =	shalt  }
0x68: {  	_ =	shalt  }
0x69: {  	_ =	shalt  }
0x6a: {  	_ =	shalt  }
0x6b: {  	_ =	shalt  }
0x6c: {  	_ =	shalt  }
0x6d: {  	_ =	shalt  }
0x6e: {  	_ =	shalt  }
0x6f: {  	_ =	shalt  }
0x70: {  	_ =	shalt  }
0x71: {  	_ =	shalt  }
0x72: {  	_ =	shalt  }
0x73: {  	_ =	shalt  }
0x74: {  	_ =	shalt  }
0x75: {  	_ =	shalt  }
0x76: {  	_ =	shalt  }
0x77: {  	_ =	shalt  }
0x78: {  	_ =	shalt  }
0x79: {  	_ =	shalt  }
0x7a: {  	_ =	shalt  }
0x7b: {  	_ =	shalt  }
0x7c: {  	_ =	shalt  }
0x7d: {  	_ =	shalt  }
0x7e: {  	_ =	shalt  }
0x7f: {  	_ =	shalt  }
0x80: {  	_ =	shalt  }
0x81: {  	_ =	shalt  }
0x82: {  	_ =	shalt  }
0x83: {  	_ =	shalt  }
0x84: {  	_ =	shalt  }
0x85: {  	_ =	shalt  }
0x86: {  	_ =	shalt  }
0x87: {  	_ =	shalt  }
.Lfunc_end0:
.L_simem_size_0:
called_computation_lowered:
.L_overlay_start_0:
0x88: {  	s2 =	sld [smem:$0x3FD9]  }
0x89: {  	s3 =	sld [smem:$0x3FFE];
	_ =	sdelay $0x1  }
0x8a: {  	s1 =	srdreg.scid  }
0x8b: {  	s0 =	sand.u32 $0x1, s1  }
0x8c: {  	s16 =	sshll.u32 s0, $0xA;
	s2 =	sadd.s32 s3, s2  }
0x8d: {  	s2 =	sadd.s32 s2, s16  }
0x8e: {  	[smem:$0x3FC0] =	sst s2  }
0x8f: {  	_ = 	snop  }
0x90: {  	(tm) =	ssettm $0x1  }
0x91: {  	s17 =	sld [smem:$0x3FFB];
	_ =	sdelay $0x3  }
0x92: {  	_ =	strace s17  }
0x93: {  	s2 =	sld [smem:$0x3FFC];
	_ =	sdelay $0x3  }
0x94: {  	_ =	strace s2  }
0x95: {  	s2 =	sld [smem:$0x3FFD];
	_ =	sdelay $0x3  }
0x96: {  	_ =	strace s2  }
0x97: {  	_ =	strace $0x8FFFFFFF  }
0x98: {  	s18 =	sld [smem:$0x3FDB];
	_ =	sdelay $0x1  }
0x99: {  	s19 =	simm.s32 $_scs_section_size  }
0x9a: {  	s4 =	simm.s32 $_size__tile_overlayer_lowered;
	s5 =	simm.s32 $_tile_overlayer_lowered  }
0x9b: {  	s22 =	simm.s32 $0x1BFF;
	s21 =	sshll.u32 s5, $0x1;
	s2 =	sadd.s32 s19, s18  }
0x9c: {  	s6 =	simm.s32 $0x0;
	s20 =	sshll.u32 s4, $0x1;
	s4 =	sadd.s32 s21, s2  }
0x9d: {  	[timem:s6], [sflag:s22] =	dma.local [hbm:s4], s20  }
0x9e: {  	_ =	swait.ge [sflag:s22], s20  }
0x9f: {  	s3 =	ssub.s32 $0x0, s20;
	[sflag:s22] =	ssyncset.done $0x0  }
0xa0: {  	[sflag:s22] =	ssyncadd.s32 s3;
	_ =	sdelay $0x1  }
0xa1: {  	s23 =	simm.s32 $0x1B8B  }
0xa2: {  	_ =	swait.ge [sflag:s23], $0x1  }
0xa3: {  	[sflag:s23] =	ssyncset.done $0x0  }
0xa4: {  	s25 =	simm.s32 $0x1B8E;
	s24 =	sld [smem:$0x3FFE];
	[sflag:s23] =	ssyncadd.s32 $0xFFFFFFFF  }
0xa5: {  	s26 =	simm.s32 $execute0_lowered;
	[smem:$0x3FD2] =	sst s25  }
0xa6: {  	s4 =	sshll.u32 s26, $0x1;
	_ =	strace $0x80000046;
	[dreg:$0x1] =	wrdreg $0xFFFFFFFF  }
0xa7: {  	s28 =	simm.s32 $_size_execute0_lowered;
	s2 =	sadd.s32 s2, s4;
	[dreg:$0x0] =	wrdreg $0x0  }
0xa8: {  	s4 =	sshll.u32 s28, $0x1;
	[dreg:$0x2] =	wrdreg s2  }
0xa9: {  	[dreg:$0x3] =	wrdreg s4  }
0xaa: {  	[dreg:$0x4] =	wrdreg $0xC0  }
0xab: {  	_ =	task [dreg:s6], $0x5FFFF  }
0xac: {  	[dreg:$0x1] =	wrdreg $0xFFFFFFFF  }
0xad: {  	[dreg:$0x0] =	wrdreg $0x60  }
0xae: {  	[dreg:$0x2] =	wrdreg s24  }
0xaf: {  	[dreg:$0x3] =	wrdreg $0x1B1C00  }
0xb0: {  	[dreg:$0x4] =	wrdreg $0x9  }
0xb1: {  	_ =	task.clear_ibuf [dreg:s6], $0x5FFFF;
	_ =	strace $0x90000046  }
0xb2: {  	s29 =	simm.s32 $0x9;
	_ =	strace $0x80000048  }
0xb3: {  	_ =	swait.ge [sflag:s29], $0x1  }
0xb4: {  	[sflag:s29] =	ssyncadd.s32 $0xFFFFFFFF  }
0xb5: {  	_ =	strace $0x90000048  }
0xb6: {  	_ =	sfence  }
0xb7: {  	s30 =	sld [smem:$0x0];
	_ =	sdelay $0x2  }
0xb8: {  	s31 =	sshll.u32 s1, $0xD;
	s1 =	sshrl.u32 s1, $0x2  }
0xb9: {  	s3 =	sand.u32 $0x4000, s31;
	s1 =	sadd.s32 s1, s30  }
0xba: {  	s0 =	sor.u32 s3, s0;
	s1 =	sshll.u32 s1, $0x11  }
0xbb: {  	s0 =	sor.u32 s1, s0  }
0xbc: {  	s0 =	sadd.s32 $0x8F2B, s0  }
0xbd: {  	[sflag:s0] =	ssyncadd.remote.s32 $0x1  }
0xbe: {  	_ =	sfence.sel $0xFFFF  }
0xbf: {  	[dreg:$0x0] =	wrdreg $0xFFFFFFFF;
	(pc) =	sbr.abs _section_cstart, $3  }
0xc0: {  	[dreg:$0x1] =	wrdreg $0xFFFFFFFF  }
0xc1: {  	_ =	task.clear_ibuf [dreg:s6], $0x2FFFF;
	_ =	strace $0x9FFFFFFF  }
0xc2: {  	(tm) =	ssettm $0x7FFFFFFF  }
0xc3: {  	_ =	shalt  }
tec
execute0_lowered:
.L_overlay_start_1:
0x0: {  	(tag) =	ssettag $0x1  }
0x1: {  	s7 =	rddreg [dreg:$0x0];
	s0 =	srdreg.scid  }
0x2: {  	s1 =	stileid.u32;
	s2 =	rddreg [dreg:$0x1];
	s3 =	simm.s32 $0x0  }
0x3: {  	s13 =	simm.s32 $0x2710;
	s14 =	simm.s32 $0x50;
	s15 =	simm.s32 $0x4E20  }
0x4: {  	s16 =	simm.s32 $0xEE20;
	s17 =	simm.s32 $0x18E20;
	s18 =	simm.s32 $0x1  }
0x5: {  	s19 =	simm.s32 $0x19820;
	s20 =	simm.s32 $0x2;
	s21 =	simm.s32 $0x19D20  }
0x6: {  	s22 =	simm.s32 $0x3;
	s23 =	simm.s32 $0x4;
	s24 =	simm.s32 $0x0  }
0x7: {  	s8 =	sand.u32 $0x1, s0;
	s4 =	sshll.u32 s1, $0x1;
	[smem:$0x7FF] =	sst s3  }
0x8: {  	s5 =	sadd.s32 $0x1200, s7;
	s9 =	sor.u32 s8, s4;
	s11 =	smul.u32 $0x4E20, s8  }
0x9: {  	s6 =	sadd.s32 $0x63000, s7;
	p0 =	sne.s32 s1, $0x0;
	s4 =	smul.u32 $0x2710, s9  }
.Ltmp0:
0xa: {  	_ =	strace $0x80000047;
	s8 =	ssub.s32 $0x2, s8;
	(pc) =	sbr.rel .LBB2_1-.Ltmp0, $4  }
0xb: {  	s12 =	sshrl.u32 s8, $0x1;
	s9 =	smul.u32 $0x4E20, s9;
	s10 =	sshrl.u32 s4, $0x3  }
0xc: {  	s11 =	sadd.s32 s11, s7;
	s12 =	ssub.s32 s8, s12;
	s10 =	sadd.s32 s10, s7  }
0xd: {  	s9 =	sadd.s32 s6, s9;
	s7 =	sadd.s32 $0x59200, s10;
	s8 =	sadd.s32 $0x4F400, s10  }
0xe: {  	v0 =	vimm.f32 $0.0e+00;
	s10 =	sadd.s32 $0xFF400, s11;
	s11 =	smax.u32 s12, $0x1;
	s12 =	simm.s32 $0x5  }
.LBB2_13:
0xf: {  	_ =	swait.ge [sflag:s22], $0x500  }
0x10: {  	[sflag:s22] =	ssyncset.done $0x0  }
0x11: {  	[sflag:s22] =	ssyncadd.s32 $0xFFFFFB00  }
0x12: {  	_ =	swait.ge [sflag:s23], $0x500  }
0x13: {  	[sflag:s23] =	ssyncset.done $0x0  }
0x14: {  	s0 =	sshrl.u32 @!p0 s2, $0x3;
	s24 =	sadd.s32 $0x1, s24;
	[sflag:s23] =	ssyncadd.s32 $0xFFFFFB00  }
0x15: {  	s25 =	simm.s32 @!p0 $0x1C05;
	p1 =	sne.s32 s24, s11;
	[bflag:$0x0] =	sbarrier.arrive $0xFFFF  }
0x16: {  	[hbm:s10], [sflag:s25] =	dma.local @!p0 [spmem:s0], $0x4E20  }
.Ltmp1:
0x17: {  	_ = 	snop;
	(pc) =	sbr.rel @!p1 .LBB2_14-.Ltmp1, $4  }
0x18: {  	s0 =	simm.s32 @!p0 $0x5  }
0x19: {  	_ =	swait.ge @!p0 [sflag:s0], $0x4E20  }
0x1a: {  	[sflag:s0] =	ssyncset.done @!p0 $0x0  }
0x1b: {  	[sflag:s0] =	ssyncadd.s32 @!p0 $0xFFFFB1E0  }
.LBB2_1:
0x1c: {  	s25 =	simm.s32 $0x0  }
.LBB2_2:
0x1d: {  	p1 =	sne.s32 s25, $0x3E40  }
.Ltmp2:
0x1e: {  	_ = 	snop;
	(pc) =	sbr.rel @p1 .LBB2_2-.Ltmp2, $3  }
0x1f: {  	_ =	sdelay $0x1  }
0x20: {  	s26 =	sshra.s32 s25, $0x2  }
0x21: {  	s25 =	sadd.s32 $0x40, s25;
	[tilespmem:s26+$0x1A220] =	vst v0  }
0x22: {  	s25 =	simm.s32 $0x0  }
0x23: {  	s25 =	sand.u32 $0xF, s25  }
0x24: {  	p1 =	sne.s32 s25, s1  }
0x25: {  	s25 =	simm.s32 @!p1 $0x1A220;
	s29 =	simm.s32 @!p1 $0x5  }
0x26: {  	[spmem:s2] =	stream.linear.scatter @!p1 [tilespmem:s25], [sflag:$0x5], $0xFA0, $0x38;
	[tilespmem:$0x1D8D0] =	vst v63  }
0x27: {  	s26 =	simm.s32 $0x1;
	_ =	swait.ge @!p1 [sflag:s29], $0xFA0  }
0x28: {  	s28 =	simm.s32 $0x2;
	s25 =	sadd.s32 $0xFA0, s2;
	[sflag:s29] =	ssyncset.done @!p1 $0x0  }
.LBB2_4:
0x29: {  	s30 =	sand.u32 $0xF, s26;
	s26 =	smov.u32 s28;
	s28 =	sadd.s32 $0x1, s28  }
0x2a: {  	[sflag:s29] =	ssyncadd.s32 @!p1 $0xFFFFF060;
	p2 =	sne.s32 s28, $0x28  }
.Ltmp3:
0x2b: {  	p1 =	sne.s32 s30, s1;
	(pc) =	sbr.rel @p2 .LBB2_4-.Ltmp3, $4  }
0x2c: {  	s30 =	simm.s32 @!p1 $0x1A220;
	s29 =	simm.s32 @!p1 $0x5  }
0x2d: {  	[spmem:s25] =	stream.linear.scatter @!p1 [tilespmem:s30], [sflag:$0x5], $0xFA0, $0x38;
	[tilespmem:$0x1D8D0] =	vst v63  }
0x2e: {  	_ =	swait.ge @!p1 [sflag:s29], $0xFA0  }
0x2f: {  	s25 =	sadd.s32 $0xFA0, s25;
	[sflag:s29] =	ssyncset.done @!p1 $0x0  }
0x30: {  	s26 =	sand.u32 $0xF, s26  }
0x31: {  	p2 =	sne.s32 s26, s1  }
0x32: {  	[sflag:s29] =	ssyncadd.s32 @!p1 $0xFFFFF060;
	s26 =	simm.s32 @!p2 $0x1A220;
	s28 =	simm.s32 @!p2 $0x5  }
0x33: {  	[spmem:s25] =	stream.linear.scatter @!p2 [tilespmem:s26], [sflag:$0x5], $0xFA0, $0x38;
	[tilespmem:$0x1D8D0] =	vst v63  }
0x34: {  	_ =	swait.ge @!p2 [sflag:s28], $0xFA0  }
0x35: {  	[sflag:s28] =	ssyncset.done @!p2 $0x0  }
0x36: {  	[sflag:s28] =	ssyncadd.s32 @!p2 $0xFFFFF060  }
0x37: {  	s25 =	simm.s32 $0x0;
	[bflag:$0x0] =	sbarrier.arrive $0xFFFF  }
0x38: {  	[tilespmem:s25], [sflag:$0x5] =	stream.linear.gather [hbm4b:s7+s25], $0x2710, $0x38;
	[tilespmem:$0x1D8D0] =	vst v63  }
0x39: {  	_ =	swait.ge [sflag:s12], $0x2710  }
0x3a: {  	[sflag:s12] =	ssyncset.done $0x0  }
0x3b: {  	[sflag:s12] =	ssyncadd.s32 $0xFFFFD8F0  }
0x3c: {  	[tilespmem:s13], [sflag:$0x5] =	stream.linear.gather [hbm4b:s8+s25], $0x2710, $0x38;
	[tilespmem:$0x1D8D0] =	vst v63  }
0x3d: {  	_ =	swait.ge [sflag:s12], $0x2710  }
0x3e: {  	[sflag:s12] =	ssyncset.done $0x0  }
0x3f: {  	[sflag:s12] =	ssyncadd.s32 $0xFFFFD8F0  }
0x40: {  	[tilespmem:s15], [sflag:$0x1] =	stream.indirect.gather [hbm4b:s5+s14], $0x100, s25, s14, $0xb8;
	[tilespmem:$0x1D8D0] =	vst v63  }
0x41: {  	_ = 	snop  }
0x42: {  	[tilespmem:s16], [sflag:$0x1] =	stream.indirect.gather [hbm4b:s5+s14], $0x100, s13, s14, $0xb8;
	[tilespmem:$0x1D8D0] =	vst v63  }
0x43: {  	_ = 	snop  }
0x44: {  	[tilespmem:s17], [sflag:$0x1] =	stream.linear.gather [hbm4b:s9+s25], $0x500, $0x38;
	[tilespmem:$0x1D8D0] =	vst v63  }
0x45: {  	_ =	swait.ge [sflag:s18], $0x5000  }
0x46: {  	[sflag:s18] =	ssyncset.done $0x0  }
0x47: {  	[sflag:s18] =	ssyncadd.s32 $0xFFFFB000  }
0x48: {  	_ =	swait.ge [sflag:s18], $0x5000  }
.Ltmp4:
0x49: {  	[sflag:s18] =	ssyncset.done $0x0;
	(pc) =	sbr.rel .LBB2_6-.Ltmp4, $4  }
0x4a: {  	[sflag:s18] =	ssyncadd.s32 $0xFFFFB000  }
0x4b: {  	_ =	swait.ge [sflag:s18], $0x500  }
0x4c: {  	[sflag:s18] =	ssyncset.done $0x0  }
0x4d: {  	[sflag:s18] =	ssyncadd.s32 $0xFFFFFB00  }
.LBB2_12:
0x4e: {  	s25 =	sadd.s32 $0x1, s25  }
0x4f: {  	p1 =	sne.s32 s25, $0x3F  }
.Ltmp5:
0x50: {  	_ = 	snop;
	(pc) =	sbr.rel @!p1 .LBB2_13-.Ltmp5, $1  }
0x51: {  	_ =	sdelay $0x3  }
.LBB2_6:
0x52: {  	s26 =	sshllo.u32 s25, $0x1  }
0x53: {  	p2 =	sgt.u32 s26, $0x7C  }
0x54: {  	s28 =	smul.u32 @!p2 $0x50, s26  }
0x55: {  	s29 =	simm.s32 @!p2 $0x50;
	s30 =	simm.s32 @!p2 $0x9E20  }
0x56: {  	[tilespmem:s30], [sflag:$0x2] =	stream.indirect.gather @!p2 [hbm4b:s5+s29], $0x100, s28, s29, $0xb8;
	[tilespmem:$0x1D8D0] =	vst v63  }
0x57: {  	s30 =	sadd.s32 @!p2 $0x2710, s28;
	s28 =	sadd.s32 @!p2 s4, s28  }
0x58: {  	s31 =	simm.s32 @!p2 $0x13E20;
	s28 =	sshll.u32 @!p2 s28, $0x1  }
0x59: {  	[tilespmem:s31], [sflag:$0x2] =	stream.indirect.gather @!p2 [hbm4b:s5+s29], $0x100, s30, s29, $0xb8;
	[tilespmem:$0x1D8D0] =	vst v63  }
0x5a: {  	p1 =	seq.s32 s25, $0x0;
	s28 =	sand.u32 @!p2 $0x1FFFFFE0, s28  }
0x5b: {  	s29 =	simm.s32 @!p2 $0x0;
	s30 =	simm.s32 @!p2 $0x19320;
	s28 =	sadd.s32 @!p2 s6, s28  }
0x5c: {  	[tilespmem:s30], [sflag:$0x2] =	stream.linear.gather @!p2 [hbm4b:s28+s29], $0x500, $0x38;
	[tilespmem:$0x1D8D0] =	vst v63  }
0x5d: {  	s28 =	simm.s32 @!p1 $0x3  }
0x5e: {  	_ =	swait.ge @!p1 [sflag:s28], $0x500  }
0x5f: {  	[sflag:s28] =	ssyncset.done @!p1 $0x0  }
0x60: {  	[sflag:s28] =	ssyncadd.s32 @!p1 $0xFFFFFB00;
	s28 =	simm.s32 $0xEEA0  }
0x61: {  	s29 =	simm.s32 $0x4EA0;
	v1 =	vld [tilespmem:s28+$0xFFFFFF80]  }
0x62: {  	v2 =	vld [tilespmem:s29+$0xFFFFFF80]  }
0x63: {  	v3 =	vld [tilespmem:s29+$0xFFFFFF90]  }
0x64: {  	s31 =	simm.s32 $0x40;
	s30 =	simm.s32 $0x0;
	v4 =	vld [tilespmem:s28+$0xFFFFFF90]  }
.LBB2_7:
0x65: {  	p3 =	sne.s32 s31, $0x13C0;
	v5 =	vld [tilespmem:s29+$0xFFFFFFA0]  }
0x66: {  	v6 =	vld [tilespmem:s28+$0xFFFFFFA0]  }
0x67: {  	v7 =	vld [tilespmem:s29+$0xFFFFFFB0]  }
0x68: {  	v8 =	vld [tilespmem:s28+$0xFFFFFFB0]  }
0x69: {  	v1 =	vmul.f32 v1, v2;
	v2 =	vmul.f32 v4, v3;
	v3 =	vld [tilespmem:s29+$0xFFFFFFC0]  }
0x6a: {  	v4 =	vld [tilespmem:s28+$0xFFFFFFC0]  }
0x6b: {  	v1 =	vadd.f32 v2, v1;
	v2 =	vmul.f32 v6, v5;
	v5 =	vld [tilespmem:s29+$0xFFFFFFD0]  }
0x6c: {  	v6 =	vld [tilespmem:s28+$0xFFFFFFD0]  }
0x6d: {  	v1 =	vadd.f32 v2, v1;
	v2 =	vmul.f32 v8, v7;
	v7 =	vld [tilespmem:s29+$0xFFFFFFE0]  }
0x6e: {  	v8 =	vld [tilespmem:s28+$0xFFFFFFE0]  }
0x6f: {  	v1 =	vadd.f32 v2, v1;
	v2 =	vmul.f32 v4, v3;
	v3 =	vld [tilespmem:s29+$0xFFFFFFF0]  }
0x70: {  	v4 =	vld [tilespmem:s28+$0xFFFFFFF0]  }
0x71: {  	v1 =	vadd.f32 v2, v1;
	v2 =	vmul.f32 v6, v5;
	v5 =	vld [tilespmem:s29+$0x0]  }
0x72: {  	v6 =	vld [tilespmem:s28+$0x0]  }
0x73: {  	v1 =	vadd.f32 v2, v1;
	v2 =	vmul.f32 v8, v7;
	v7 =	vld [tilespmem:s29+$0x10]  }
0x74: {  	v8 =	vld [tilespmem:s28+$0x10]  }
0x75: {  	v1 =	vadd.f32 v2, v1;
	v2 =	vmul.f32 v4, v3;
	v3 =	vld [tilespmem:s29+$0x20]  }
0x76: {  	v4 =	vld [tilespmem:s28+$0x20]  }
0x77: {  	v1 =	vadd.f32 v2, v1;
	v2 =	vmul.f32 v6, v5;
	v5 =	vld [tilespmem:s29+$0x30]  }
0x78: {  	v6 =	vld [tilespmem:s28+$0x30]  }
0x79: {  	v1 =	vadd.f32 v2, v1;
	v2 =	vmul.f32 v8, v7;
	v7 =	vld [tilespmem:s29+$0x40]  }
0x7a: {  	v8 =	vld [tilespmem:s28+$0x40]  }
0x7b: {  	v1 =	vadd.f32 v2, v1;
	v2 =	vmul.f32 v4, v3;
	v3 =	vld [tilespmem:s29+$0x50]  }
0x7c: {  	v4 =	vld [tilespmem:s28+$0x50]  }
0x7d: {  	v1 =	vadd.f32 v2, v1;
	v2 =	vmul.f32 v6, v5;
	v5 =	vld [tilespmem:s29+$0x60]  }
0x7e: {  	v6 =	vld [tilespmem:s28+$0x60]  }
0x7f: {  	v1 =	vadd.f32 v2, v1;
	v2 =	vmul.f32 v8, v7;
	v7 =	vld [tilespmem:s29+$0x70]  }
0x80: {  	v8 =	vld [tilespmem:s28+$0x70]  }
0x81: {  	v1 =	vadd.f32 v2, v1;
	v2 =	vmul.f32 v4, v3;
	_ =	sdelay $0x1  }
0x82: {  	s0 =	sshra.s32 s30, $0x2;
	s30 =	smov.u32 s31;
	v1 =	vadd.f32 v2, v1;
	v2 =	vmul.f32 v6, v5  }
0x83: {  	v3 =	vld [tilespmem:s0+$0x18E20]  }
0x84: {  	v1 =	vadd.f32 v2, v1;
	v2 =	vmul.f32 v8, v7;
	_ =	sdelay $0x1  }
0x85: {  	v1 =	vadd.f32 v2, v1;
	_ =	sdelay $0x1  }
0x86: {  	v1 =	vadd.f32 v1, v3;
	_ =	sdelay $0x1  }
0x87: {  	v2 =	vmul.f32 $2.000000030e-01, v1;
	_ =	sdelay $0x1  }
0x88: {  	v1 =	vmax.f32 v1, v2  }
0x89: {  	v1 =	vmul.f32 $1.442695020e+00, v1;
	_ =	sdelay $0x1  }
0x8a: {  	(erf) = vpow2.f32 v1;
	_ =	sdelay $0x8  }
0x8b: {  	v1 =	vpop (erf)  }
.Ltmp6:
0x8c: {  	s28 =	sadd.s32 $0x100, s28;
	[tilespmem:s0+$0x19820] =	vst v1;
	(pc) =	sbr.rel @p3 .LBB2_7-.Ltmp6, $4  }
0x8d: {  	s29 =	sadd.s32 $0x100, s29;
	v1 =	vld [tilespmem:s28+$0xFFFFFF80]  }
0x8e: {  	v2 =	vld [tilespmem:s29+$0xFFFFFF80]  }
0x8f: {  	v3 =	vld [tilespmem:s29+$0xFFFFFF90]  }
0x90: {  	s31 =	sadd.s32 $0x40, s31;
	v4 =	vld [tilespmem:s28+$0xFFFFFF90]  }
0x91: {  	v5 =	vld [tilespmem:s29+$0xFFFFFFA0]  }
0x92: {  	v6 =	vld [tilespmem:s28+$0xFFFFFFA0]  }
0x93: {  	v7 =	vld [tilespmem:s29+$0xFFFFFFB0]  }
0x94: {  	v8 =	vld [tilespmem:s28+$0xFFFFFFB0]  }
0x95: {  	v44 =	vld [tilespmem:s28+$0xFFFFFFC0];
	v1 =	vmul.f32 v1, v2;
	v2 =	vmul.f32 v4, v3  }
0x96: {  	v3 =	vld [tilespmem:s29+$0xFFFFFFC0]  }
0x97: {  	v45 =	vld [tilespmem:s29+$0xFFFFFFD0];
	v1 =	vadd.f32 v2, v1;
	v2 =	vmul.f32 v6, v5  }
0x98: {  	v46 =	vld [tilespmem:s28+$0xFFFFFFD0]  }
0x99: {  	v47 =	vld [tilespmem:s29+$0xFFFFFFE0];
	v1 =	vadd.f32 v2, v1;
	v2 =	vmul.f32 v8, v7  }
0x9a: {  	v48 =	vld [tilespmem:s28+$0xFFFFFFE0]  }
0x9b: {  	v49 =	vld [tilespmem:s28+$0xFFFFFFF0];
	v1 =	vadd.f32 v2, v1;
	v2 =	vmul.f32 v44, v3  }
0x9c: {  	v3 =	vld [tilespmem:s29+$0xFFFFFFF0]  }
0x9d: {  	v50 =	vld [tilespmem:s29+$0x0];
	v1 =	vadd.f32 v2, v1;
	v2 =	vmul.f32 v46, v45  }
0x9e: {  	v51 =	vld [tilespmem:s28+$0x0]  }
0x9f: {  	v52 =	vld [tilespmem:s29+$0x10];
	v1 =	vadd.f32 v2, v1;
	v2 =	vmul.f32 v48, v47  }
0xa0: {  	v53 =	vld [tilespmem:s28+$0x10]  }
0xa1: {  	v54 =	vld [tilespmem:s28+$0x20];
	v1 =	vadd.f32 v2, v1;
	v2 =	vmul.f32 v49, v3  }
0xa2: {  	v3 =	vld [tilespmem:s29+$0x20]  }
0xa3: {  	v55 =	vld [tilespmem:s29+$0x30];
	v1 =	vadd.f32 v2, v1;
	v2 =	vmul.f32 v51, v50  }
0xa4: {  	v56 =	vld [tilespmem:s28+$0x30]  }
0xa5: {  	v57 =	vld [tilespmem:s29+$0x40];
	v1 =	vadd.f32 v2, v1;
	v2 =	vmul.f32 v53, v52  }
0xa6: {  	v58 =	vld [tilespmem:s28+$0x40]  }
0xa7: {  	v59 =	vld [tilespmem:s28+$0x50];
	v1 =	vadd.f32 v2, v1;
	v2 =	vmul.f32 v54, v3  }
0xa8: {  	v3 =	vld [tilespmem:s29+$0x50]  }
0xa9: {  	v60 =	vld [tilespmem:s29+$0x60];
	v1 =	vadd.f32 v2, v1;
	v2 =	vmul.f32 v56, v55  }
0xaa: {  	v61 =	vld [tilespmem:s28+$0x60]  }
0xab: {  	v62 =	vld [tilespmem:s29+$0x70];
	v1 =	vadd.f32 v2, v1;
	v2 =	vmul.f32 v58, v57  }
0xac: {  	v63 =	vld [tilespmem:s28+$0x70]  }
0xad: {  	v1 =	vadd.f32 v2, v1;
	v2 =	vmul.f32 v59, v3;
	_ =	sdelay $0x1  }
0xae: {  	s0 =	sshra.s32 s30, $0x2;
	v1 =	vadd.f32 v2, v1;
	v2 =	vmul.f32 v61, v60  }
0xaf: {  	v3 =	vld [tilespmem:s0+$0x18E20]  }
0xb0: {  	v1 =	vadd.f32 v2, v1;
	v2 =	vmul.f32 v63, v62;
	_ =	sdelay $0x1  }
0xb1: {  	v1 =	vadd.f32 v2, v1;
	_ =	sdelay $0x1  }
0xb2: {  	v1 =	vadd.f32 v1, v3;
	_ =	sdelay $0x1  }
0xb3: {  	v2 =	vmul.f32 $2.000000030e-01, v1;
	_ =	sdelay $0x1  }
0xb4: {  	v1 =	vmax.f32 v1, v2  }
0xb5: {  	v1 =	vmul.f32 $1.442695020e+00, v1;
	_ =	sdelay $0x1  }
0xb6: {  	(erf) = vpow2.f32 v1;
	_ =	sdelay $0x5  }
0xb7: {  	s30 =	smul.u32 $0x280, s25  }
.Ltmp7:
0xb8: {  	_ = 	snop;
	(pc) =	sbr.rel @p2 .LBB2_12-.Ltmp7, $4  }
0xb9: {  	_ = 	snop  }
0xba: {  	s28 =	sshra.s32 s30, $0x2;
	v1 =	vpop (erf)  }
0xbb: {  	s31 =	sadd.s32 $0x2710, s28;
	[tilespmem:s0+$0x19820] =	vst v1  }
0xbc: {  	[spmem:s2] =	stream.indirect.scatter.add.f32 [tilespmem:s19], [sflag:$0x3], $0x10, s31, s14, $0xb8;
	[tilespmem:$0x1D8D0] =	vst v63  }
0xbd: {  	_ =	swait.ge [sflag:s20], $0x5000  }
0xbe: {  	[sflag:s20] =	ssyncset.done $0x0  }
0xbf: {  	[sflag:s20] =	ssyncadd.s32 $0xFFFFB000  }
0xc0: {  	_ =	swait.ge [sflag:s20], $0x5000  }
0xc1: {  	[sflag:s20] =	ssyncset.done $0x0  }
0xc2: {  	[sflag:s20] =	ssyncadd.s32 $0xFFFFB000  }
0xc3: {  	s0 =	smul.u32 $0xA0, s25;
	_ =	swait.ge [sflag:s20], $0x500  }
0xc4: {  	[sflag:s20] =	ssyncset.done $0x0  }
0xc5: {  	s28 =	sadd.s32 $0xA0, s0;
	[sflag:s20] =	ssyncadd.s32 $0xFFFFFB00  }
0xc6: {  	[tilespmem:s15], [sflag:$0x1] =	stream.indirect.gather [hbm4b:s5+s14], $0x100, s28, s14, $0xb8;
	[tilespmem:$0x1D8D0] =	vst v63  }
0xc7: {  	s0 =	sadd.s32 $0x27B0, s0  }
0xc8: {  	[tilespmem:s16], [sflag:$0x1] =	stream.indirect.gather [hbm4b:s5+s14], $0x100, s0, s14, $0xb8;
	[tilespmem:$0x1D8D0] =	vst v63  }
0xc9: {  	s0 =	sadd.s32 s4, s28  }
0xca: {  	s0 =	sshll.u32 s0, $0x1  }
0xcb: {  	s0 =	sand.u32 $0x1FFFFFE0, s0  }
0xcc: {  	s0 =	sadd.s32 s6, s0  }
0xcd: {  	[tilespmem:s17], [sflag:$0x1] =	stream.linear.gather [hbm4b:s0+s3], $0x500, $0x38;
	[tilespmem:$0x1D8D0] =	vst v63  }
0xce: {  	s0 =	simm.s32 @!p1 $0x4  }
0xcf: {  	_ =	swait.ge @!p1 [sflag:s0], $0x500  }
0xd0: {  	[sflag:s0] =	ssyncset.done @!p1 $0x0  }
0xd1: {  	[sflag:s0] =	ssyncadd.s32 @!p1 $0xFFFFFB00;
	s0 =	simm.s32 $0x0  }
0xd2: {  	v1 =	vld [tilespmem:s0+$0x13E20]  }
0xd3: {  	v2 =	vld [tilespmem:s0+$0x9E20]  }
0xd4: {  	v3 =	vld [tilespmem:s0+$0x9E30]  }
0xd5: {  	v4 =	vld [tilespmem:s0+$0x13E30]  }
0xd6: {  	v5 =	vld [tilespmem:s0+$0x9E40]  }
0xd7: {  	v6 =	vld [tilespmem:s0+$0x13E40]  }
0xd8: {  	v7 =	vld [tilespmem:s0+$0x9E50]  }
0xd9: {  	v8 =	vld [tilespmem:s0+$0x13E50]  }
0xda: {  	v1 =	vmul.f32 v1, v2;
	v2 =	vmul.f32 v4, v3;
	v3 =	vld [tilespmem:s0+$0x9E60]  }
0xdb: {  	v4 =	vld [tilespmem:s0+$0x13E60]  }
0xdc: {  	v52 =	vld [tilespmem:s0+$0x13E70];
	v1 =	vadd.f32 v2, v1;
	v2 =	vmul.f32 v6, v5  }
0xdd: {  	v5 =	vld [tilespmem:s0+$0x9E70]  }
0xde: {  	v53 =	vld [tilespmem:s0+$0x9E80];
	v1 =	vadd.f32 v2, v1;
	v2 =	vmul.f32 v8, v7  }
0xdf: {  	v54 =	vld [tilespmem:s0+$0x13E80]  }
0xe0: {  	v1 =	vadd.f32 v2, v1;
	v2 =	vmul.f32 v4, v3;
	v3 =	vld [tilespmem:s0+$0x9E90]  }
0xe1: {  	v4 =	vld [tilespmem:s0+$0x13E90]  }
0xe2: {  	v55 =	vld [tilespmem:s0+$0x13EA0];
	v1 =	vadd.f32 v2, v1;
	v2 =	vmul.f32 v52, v5  }
0xe3: {  	v5 =	vld [tilespmem:s0+$0x9EA0]  }
0xe4: {  	v56 =	vld [tilespmem:s0+$0x9EB0];
	v1 =	vadd.f32 v2, v1;
	v2 =	vmul.f32 v54, v53  }
0xe5: {  	v57 =	vld [tilespmem:s0+$0x13EB0]  }
0xe6: {  	v1 =	vadd.f32 v2, v1;
	v2 =	vmul.f32 v4, v3;
	v3 =	vld [tilespmem:s0+$0x9EC0]  }
0xe7: {  	v4 =	vld [tilespmem:s0+$0x13EC0]  }
0xe8: {  	v58 =	vld [tilespmem:s0+$0x13ED0];
	v1 =	vadd.f32 v2, v1;
	v2 =	vmul.f32 v55, v5  }
0xe9: {  	v5 =	vld [tilespmem:s0+$0x9ED0]  }
0xea: {  	v59 =	vld [tilespmem:s0+$0x9EE0];
	v1 =	vadd.f32 v2, v1;
	v2 =	vmul.f32 v57, v56  }
0xeb: {  	v60 =	vld [tilespmem:s0+$0x13EE0]  }
0xec: {  	v1 =	vadd.f32 v2, v1;
	v2 =	vmul.f32 v4, v3;
	v3 =	vld [tilespmem:s0+$0x9EF0]  }
0xed: {  	v4 =	vld [tilespmem:s0+$0x13EF0]  }
0xee: {  	v61 =	vld [tilespmem:s0+$0x13F00];
	v1 =	vadd.f32 v2, v1;
	v2 =	vmul.f32 v58, v5  }
0xef: {  	v5 =	vld [tilespmem:s0+$0x9F00]  }
0xf0: {  	v62 =	vld [tilespmem:s0+$0x9F10];
	v1 =	vadd.f32 v2, v1;
	v2 =	vmul.f32 v60, v59  }
0xf1: {  	v63 =	vld [tilespmem:s0+$0x13F10]  }
0xf2: {  	v1 =	vadd.f32 v2, v1;
	v2 =	vmul.f32 v4, v3;
	_ =	sdelay $0x1  }
0xf3: {  	s28 =	simm.s32 $0x19320;
	v1 =	vadd.f32 v2, v1;
	v2 =	vmul.f32 v61, v5  }
0xf4: {  	v3 =	vld [tilespmem:s28+$0x0]  }
0xf5: {  	v1 =	vadd.f32 v2, v1;
	v2 =	vmul.f32 v63, v62;
	_ =	sdelay $0x1  }
0xf6: {  	v1 =	vadd.f32 v2, v1;
	_ =	sdelay $0x1  }
0xf7: {  	v1 =	vadd.f32 v1, v3;
	_ =	sdelay $0x1  }
0xf8: {  	v2 =	vmul.f32 $2.000000030e-01, v1;
	_ =	sdelay $0x1  }
0xf9: {  	v1 =	vmax.f32 v1, v2  }
0xfa: {  	v1 =	vmul.f32 $1.442695020e+00, v1;
	_ =	sdelay $0x1  }
0xfb: {  	(erf) = vpow2.f32 v1;
	_ =	sdelay $0x8  }
0xfc: {  	s29 =	simm.s32 $0x19D20;
	v1 =	vpop (erf)  }
0xfd: {  	s30 =	simm.s32 $0x100;
	[tilespmem:s29+$0x0] =	vst v1  }
0xfe: {  	v1 =	vld [tilespmem:s30+$0x13E20]  }
0xff: {  	v2 =	vld [tilespmem:s30+$0x9E20]  }
0x100: {  	s31 =	simm.s32 $0x800;
	v3 =	vld [tilespmem:s30+$0x9E30]  }
.LBB2_10:
0x101: {  	p1 =	sne.s32 s31, $0x13C00;
	v4 =	vld [tilespmem:s30+$0x13E30]  }
0x102: {  	v5 =	vld [tilespmem:s30+$0x9E40]  }
0x103: {  	v6 =	vld [tilespmem:s30+$0x13E40]  }
0x104: {  	v7 =	vld [tilespmem:s30+$0x9E50]  }
0x105: {  	v8 =	vld [tilespmem:s30+$0x13E50]  }
0x106: {  	v1 =	vmul.f32 v1, v2;
	v2 =	vmul.f32 v4, v3;
	v3 =	vld [tilespmem:s30+$0x9E60]  }
0x107: {  	v4 =	vld [tilespmem:s30+$0x13E60]  }
0x108: {  	v1 =	vadd.f32 v2, v1;
	v2 =	vmul.f32 v6, v5;
	v5 =	vld [tilespmem:s30+$0x9E70]  }
0x109: {  	v6 =	vld [tilespmem:s30+$0x13E70]  }
0x10a: {  	v1 =	vadd.f32 v2, v1;
	v2 =	vmul.f32 v8, v7;
	v7 =	vld [tilespmem:s30+$0x9E80]  }
0x10b: {  	v8 =	vld [tilespmem:s30+$0x13E80]  }
0x10c: {  	v1 =	vadd.f32 v2, v1;
	v2 =	vmul.f32 v4, v3;
	v3 =	vld [tilespmem:s30+$0x9E90]  }
0x10d: {  	v4 =	vld [tilespmem:s30+$0x13E90]  }
0x10e: {  	v1 =	vadd.f32 v2, v1;
	v2 =	vmul.f32 v6, v5;
	v5 =	vld [tilespmem:s30+$0x9EA0]  }
0x10f: {  	v6 =	vld [tilespmem:s30+$0x13EA0]  }
0x110: {  	v1 =	vadd.f32 v2, v1;
	v2 =	vmul.f32 v8, v7;
	v7 =	vld [tilespmem:s30+$0x9EB0]  }
0x111: {  	v8 =	vld [tilespmem:s30+$0x13EB0]  }
0x112: {  	v1 =	vadd.f32 v2, v1;
	v2 =	vmul.f32 v4, v3;
	v3 =	vld [tilespmem:s30+$0x9EC0]  }
0x113: {  	v4 =	vld [tilespmem:s30+$0x13EC0]  }
0x114: {  	v1 =	vadd.f32 v2, v1;
	v2 =	vmul.f32 v6, v5;
	v5 =	vld [tilespmem:s30+$0x9ED0]  }
0x115: {  	v6 =	vld [tilespmem:s30+$0x13ED0]  }
0x116: {  	v1 =	vadd.f32 v2, v1;
	v2 =	vmul.f32 v8, v7;
	v7 =	vld [tilespmem:s30+$0x9EE0]  }
0x117: {  	v8 =	vld [tilespmem:s30+$0x13EE0]  }
0x118: {  	v1 =	vadd.f32 v2, v1;
	v2 =	vmul.f32 v4, v3;
	v3 =	vld [tilespmem:s30+$0x9EF0]  }
0x119: {  	v4 =	vld [tilespmem:s30+$0x13EF0]  }
0x11a: {  	v1 =	vadd.f32 v2, v1;
	v2 =	vmul.f32 v6, v5;
	v5 =	vld [tilespmem:s30+$0x9F00]  }
0x11b: {  	v6 =	vld [tilespmem:s30+$0x13F00]  }
0x11c: {  	v1 =	vadd.f32 v2, v1;
	v2 =	vmul.f32 v8, v7;
	v7 =	vld [tilespmem:s30+$0x9F10]  }
0x11d: {  	v8 =	vld [tilespmem:s30+$0x13F10]  }
0x11e: {  	v1 =	vadd.f32 v2, v1;
	v2 =	vmul.f32 v4, v3;
	_ =	sdelay $0x1  }
0x11f: {  	s28 =	sadd.s32 $0x10, s28;
	v1 =	vadd.f32 v2, v1;
	v2 =	vmul.f32 v6, v5  }
0x120: {  	v3 =	vld [tilespmem:s28+$0x0]  }
0x121: {  	v1 =	vadd.f32 v2, v1;
	v2 =	vmul.f32 v8, v7;
	_ =	sdelay $0x1  }
0x122: {  	v1 =	vadd.f32 v2, v1;
	_ =	sdelay $0x1  }
0x123: {  	v1 =	vadd.f32 v1, v3;
	_ =	sdelay $0x1  }
0x124: {  	v2 =	vmul.f32 $2.000000030e-01, v1;
	_ =	sdelay $0x1  }
0x125: {  	v1 =	vmax.f32 v1, v2  }
0x126: {  	v1 =	vmul.f32 $1.442695020e+00, v1;
	_ =	sdelay $0x1  }
0x127: {  	(erf) = vpow2.f32 v1;
	_ =	sdelay $0x8  }
.Ltmp8:
0x128: {  	s29 =	sadd.s32 $0x10, s29;
	v1 =	vpop (erf);
	(pc) =	sbr.rel @p1 .LBB2_10-.Ltmp8, $4  }
0x129: {  	s30 =	sshra.s32 s31, $0x2;
	[tilespmem:s29+$0x0] =	vst v1  }
0x12a: {  	v1 =	vld [tilespmem:s30+$0x13E20]  }
0x12b: {  	v2 =	vld [tilespmem:s30+$0x9E20]  }
0x12c: {  	s31 =	sadd.s32 $0x400, s31;
	v3 =	vld [tilespmem:s30+$0x9E30]  }
0x12d: {  	v4 =	vld [tilespmem:s30+$0x13E30]  }
0x12e: {  	v5 =	vld [tilespmem:s30+$0x9E40]  }
0x12f: {  	v6 =	vld [tilespmem:s30+$0x13E40]  }
0x130: {  	v7 =	vld [tilespmem:s30+$0x9E50]  }
0x131: {  	v8 =	vld [tilespmem:s30+$0x13E50]  }
0x132: {  	v44 =	vld [tilespmem:s30+$0x13E60];
	v1 =	vmul.f32 v1, v2;
	v2 =	vmul.f32 v4, v3  }
0x133: {  	v3 =	vld [tilespmem:s30+$0x9E60]  }
0x134: {  	v45 =	vld [tilespmem:s30+$0x9E70];
	v1 =	vadd.f32 v2, v1;
	v2 =	vmul.f32 v6, v5  }
0x135: {  	v46 =	vld [tilespmem:s30+$0x13E70]  }
0x136: {  	v47 =	vld [tilespmem:s30+$0x9E80];
	v1 =	vadd.f32 v2, v1;
	v2 =	vmul.f32 v8, v7  }
0x137: {  	v48 =	vld [tilespmem:s30+$0x13E80]  }
0x138: {  	v49 =	vld [tilespmem:s30+$0x13E90];
	v1 =	vadd.f32 v2, v1;
	v2 =	vmul.f32 v44, v3  }
0x139: {  	v3 =	vld [tilespmem:s30+$0x9E90]  }
0x13a: {  	v50 =	vld [tilespmem:s30+$0x9EA0];
	v1 =	vadd.f32 v2, v1;
	v2 =	vmul.f32 v46, v45  }
0x13b: {  	v51 =	vld [tilespmem:s30+$0x13EA0]  }
0x13c: {  	v52 =	vld [tilespmem:s30+$0x9EB0];
	v1 =	vadd.f32 v2, v1;
	v2 =	vmul.f32 v48, v47  }
0x13d: {  	v53 =	vld [tilespmem:s30+$0x13EB0]  }
0x13e: {  	v54 =	vld [tilespmem:s30+$0x13EC0];
	v1 =	vadd.f32 v2, v1;
	v2 =	vmul.f32 v49, v3  }
0x13f: {  	v3 =	vld [tilespmem:s30+$0x9EC0]  }
0x140: {  	v55 =	vld [tilespmem:s30+$0x9ED0];
	v1 =	vadd.f32 v2, v1;
	v2 =	vmul.f32 v51, v50  }
0x141: {  	v56 =	vld [tilespmem:s30+$0x13ED0]  }
0x142: {  	v57 =	vld [tilespmem:s30+$0x9EE0];
	v1 =	vadd.f32 v2, v1;
	v2 =	vmul.f32 v53, v52  }
0x143: {  	v58 =	vld [tilespmem:s30+$0x13EE0]  }
0x144: {  	v59 =	vld [tilespmem:s30+$0x13EF0];
	v1 =	vadd.f32 v2, v1;
	v2 =	vmul.f32 v54, v3  }
0x145: {  	v3 =	vld [tilespmem:s30+$0x9EF0]  }
0x146: {  	v60 =	vld [tilespmem:s30+$0x9F00];
	v1 =	vadd.f32 v2, v1;
	v2 =	vmul.f32 v56, v55  }
0x147: {  	v61 =	vld [tilespmem:s30+$0x13F00]  }
0x148: {  	v62 =	vld [tilespmem:s30+$0x9F10];
	v1 =	vadd.f32 v2, v1;
	v2 =	vmul.f32 v58, v57  }
0x149: {  	v63 =	vld [tilespmem:s30+$0x13F10]  }
0x14a: {  	v1 =	vadd.f32 v2, v1;
	v2 =	vmul.f32 v59, v3;
	_ =	sdelay $0x1  }
0x14b: {  	s0 =	sadd.s32 $0x10, s28;
	v1 =	vadd.f32 v2, v1;
	v2 =	vmul.f32 v61, v60  }
0x14c: {  	v3 =	vld [tilespmem:s0+$0x0]  }
0x14d: {  	v1 =	vadd.f32 v2, v1;
	v2 =	vmul.f32 v63, v62;
	_ =	sdelay $0x1  }
0x14e: {  	v1 =	vadd.f32 v2, v1;
	_ =	sdelay $0x1  }
0x14f: {  	v1 =	vadd.f32 v1, v3;
	_ =	sdelay $0x1  }
0x150: {  	v2 =	vmul.f32 $2.000000030e-01, v1;
	_ =	sdelay $0x1  }
0x151: {  	v1 =	vmax.f32 v1, v2  }
0x152: {  	v1 =	vmul.f32 $1.442695020e+00, v1;
	_ =	sdelay $0x1  }
0x153: {  	(erf) = vpow2.f32 v1;
	_ =	sdelay $0x6  }
0x154: {  	s30 =	smul.u32 $0x140, s26;
	_ =	sdelay $0x1  }
0x155: {  	s31 =	sadd.s32 $0x10, s29;
	s0 =	sshra.s32 s30, $0x2;
	v1 =	vpop (erf)  }
0x156: {  	s0 =	sadd.s32 $0x2710, s0;
	[tilespmem:s31+$0x0] =	vst v1  }
0x157: {  	[spmem:s2] =	stream.indirect.scatter.add.f32 [tilespmem:s21], [sflag:$0x4], $0x10, s0, s14, $0xb8;
	[tilespmem:$0x1D8D0] =	vst v63  }
0x158: {  	_ =	swait.ge [sflag:s18], $0x5000  }
0x159: {  	[sflag:s18] =	ssyncset.done $0x0  }
0x15a: {  	[sflag:s18] =	ssyncadd.s32 $0xFFFFB000  }
0x15b: {  	_ =	swait.ge [sflag:s18], $0x5000  }
.Ltmp9:
0x15c: {  	[sflag:s18] =	ssyncset.done $0x0;
	(pc) =	sbr.rel .LBB2_12-.Ltmp9, $4  }
0x15d: {  	[sflag:s18] =	ssyncadd.s32 $0xFFFFB000  }
0x15e: {  	_ =	swait.ge [sflag:s18], $0x500  }
0x15f: {  	[sflag:s18] =	ssyncset.done $0x0  }
0x160: {  	[sflag:s18] =	ssyncadd.s32 $0xFFFFFB00  }
.LBB2_14:
0x161: {  	_ =	sfence.sel $0x180000  }
0x162: {  	[bflag:$0x0] =	sbarrier.arrive $0xFFFF  }
0x163: {  	_ =	strace $0x90000047  }
0x164: {  	[bflag:$0x2] =	sbarrier.arrive $0xFFFF  }
0x165: {  	s0 =	rddreg [dreg:$0x2]  }
0x166: {  	s0 =	sadd.s32 @!p0 $0x100000, s0  }
0x167: {  	[sflag:s0] =	ssyncadd.tile.s32 @!p0 $0x1;
	_ =	shalt  }
.Lfunc_end2:
_tile_overlayer_lowered:
.L_overlay_start_2:
0x168: {  	(tag) =	ssettag $0x2  }
0x169: {  	s0 =	rddreg [dreg:$0x0];
	s2 =	stileid.u32  }
0x16a: {  	s1 =	rddreg [dreg:$0x1];
	p0 =	sne.s32 s2, $0x0  }
0x16b: {  	s3 =	rddreg [dreg:$0x2];
	[bflag:$0x3] =	sbarrier.arrive $0xFFFF;
	s2 =	simm.s32 @!p0 $0x1C05  }
0x16c: {  	[timem:s3], [sflag:s2] =	dma.local @!p0 [hbm:s0], s1  }
0x16d: {  	s0 =	simm.s32 @!p0 $0x5  }
0x16e: {  	_ =	swait.ge @!p0 [sflag:s0], s1  }
0x16f: {  	s1 =	ssub.s32 @!p0 $0x0, s1;
	[sflag:s0] =	ssyncset.done @!p0 $0x0  }
0x170: {  	[sflag:s0] =	ssyncadd.s32 @!p0 s1  }
0x171: {  	[bflag:$0x3] =	sbarrier.arrive $0xFFFF  }
0x172: {  	_ =	shalt  }

</sc_bundles>
